<compile_context>
chip_gen: v7x
topology: tpu7x:2x2x1
jax: 0.10.2.dev20260603
libtpu: 0.0.44.dev20260713+nightly
codegen_flags: <defaults>
</compile_context>

<pallas_src>
import functools

import jax
import jax.numpy as jnp
from jax.experimental import pallas as pl
from jax.experimental.pallas import tpu as pltpu
from jax.experimental.pallas import tpu_sc as plsc

TM = 2000
TMA = 200
GW = 240


def _elu(x):
    return jnp.where(x > 0, x, jnp.exp(jnp.minimum(x, 0.0)) - 1.0)


def _agg1_body(adj_ref, f_ref, w1_ref, b_ref, w2_ref, o_ref, a8_ref, x1_ref):
    @pl.when(pl.program_id(0) == 0)
    def _():
        x1_ref[...] = jnp.dot(f_ref[...].astype(jnp.bfloat16), w1_ref[...],
                              preferred_element_type=jnp.float32
                              ).astype(jnp.bfloat16)

    a = adj_ref[...]
    a8_ref[...] = a.astype(jnp.float8_e4m3fn)
    acc = jnp.dot(a.astype(jnp.bfloat16), x1_ref[...],
                  preferred_element_type=jnp.float32)
    h = _elu(acc + b_ref[...])
    x2 = jnp.dot(h.astype(jnp.bfloat16), w2_ref[...],
                 preferred_element_type=jnp.float32)
    o_ref[...] = (x2 * 0.0625).astype(jnp.float8_e4m3fn)


def _agg2_body(adj_ref, x_ref, b_ref, o_ref):
    acc = jnp.dot(adj_ref[...], x_ref[...],
                  preferred_element_type=jnp.float32) * 16.0
    h = _elu(_elu(acc + b_ref[...]))
    nrm = jnp.sqrt(jnp.sum(h * h, axis=1, keepdims=True))
    hn = h / jnp.maximum(nrm, 1e-8)
    d2 = hn.shape[1] // 2
    lo = jax.lax.bitcast_convert_type(
        hn[:, :d2].astype(jnp.bfloat16).astype(jnp.float32), jnp.int32)
    hi = jax.lax.bitcast_convert_type(
        hn[:, d2:].astype(jnp.bfloat16).astype(jnp.float32), jnp.int32)
    o_ref[...] = jnp.bitwise_or(
        jax.lax.shift_right_logical(lo, 16),
        jnp.bitwise_and(hi, jnp.int32(-65536)))


def _unpack_pair(w32):
    lo = jax.lax.bitcast_convert_type(
        jax.lax.shift_left(w32, 16), jnp.float32)
    hi = jax.lax.bitcast_convert_type(
        jnp.bitwise_and(w32, jnp.int32(-65536)), jnp.float32)
    return lo, hi


def _loss_body(hn_ref, g_ref, o_ref, n_rows):
    i = pl.program_id(0)
    hn_lo, hn_hi = _unpack_pair(hn_ref[...])
    g_lo, g_hi = _unpack_pair(g_ref[...])
    sims = (jnp.sum(hn_lo[None, :, :] * g_lo, axis=2)
            + jnp.sum(hn_hi[None, :, :] * g_hi, axis=2))
    lse = jnp.log(jnp.sum(jnp.exp(sims[1:, :]), axis=0))

    @pl.when(i == 0)
    def _():
        o_ref[0, 0] = 0.0

    o_ref[0, 0] += jnp.sum(lse - sims[0, :]) / n_rows


def _sc_gather(hn, idx_flat, n_gather, d):
    mesh = plsc.VectorSubcoreMesh(core_axis_name="core",
                                  subcore_axis_name="subcore")

    n_blocks = n_gather // GW

    @pl.kernel(out_type=jax.ShapeDtypeStruct((n_gather, d), hn.dtype),
               mesh=mesh)
    def kern(x_hbm, i_hbm, o_hbm):
        def body(i_vmem, o_vmem):
            pltpu.sync_copy(x_hbm.at[i_vmem.at[0, 0]], o_vmem)

        pltpu.emit_pipeline(
            body,
            grid=(n_blocks,),
            in_specs=[pl.BlockSpec((1, 1, GW), index_map=lambda i: (i, 0, 0))],
            out_specs=[pl.BlockSpec((GW, d), index_map=lambda i: (i, 0))],
            core_axis_name=("core", "subcore"),
            dimension_semantics=(pltpu.PARALLEL,),
        )(i_hbm, o_hbm)

    return kern(hn, idx_flat.reshape(n_blocks, 1, GW))


def kernel(feature, adj, sample, W1, b1, W2, b2):
    n, d_in = feature.shape
    d_h = W1.shape[1]
    w = sample.shape[1]
    nm = n // TM
    nma = n // TMA

    w1b = W1.astype(jnp.bfloat16)
    w2b = W2.astype(jnp.bfloat16)
    b1r = b1.reshape(1, d_h)
    b2r = b2.reshape(1, d_h)

    x2 = pl.pallas_call(
        _agg1_body,
        grid=(nma,),
        in_specs=[
            pl.BlockSpec((TMA, n), lambda m: (m, 0)),
            pl.BlockSpec((n, d_in), lambda m: (0, 0)),
            pl.BlockSpec((d_in, d_h), lambda m: (0, 0)),
            pl.BlockSpec((1, d_h), lambda m: (0, 0)),
            pl.BlockSpec((d_h, d_h), lambda m: (0, 0)),
        ],
        out_specs=[
            pl.BlockSpec((TMA, d_h), lambda m: (m, 0)),
            pl.BlockSpec((TMA, n), lambda m: (m, 0)),
        ],
        out_shape=[
            jax.ShapeDtypeStruct((n, d_h), jnp.float8_e4m3fn),
            jax.ShapeDtypeStruct((n, n), jnp.float8_e4m3fn),
        ],
        scratch_shapes=[pltpu.VMEM((n, d_h), jnp.bfloat16)],
    )(adj, feature, w1b, b1r, w2b)
    x2, adj8 = x2

    d2 = d_h // 2
    hn32 = pl.pallas_call(
        _agg2_body,
        grid=(nma,),
        in_specs=[
            pl.BlockSpec((TMA, n), lambda m: (m, 0)),
            pl.BlockSpec((n, d_h), lambda m: (0, 0)),
            pl.BlockSpec((1, d_h), lambda m: (0, 0)),
        ],
        out_specs=pl.BlockSpec((TMA, d2), lambda m: (m, 0)),
        out_shape=jax.ShapeDtypeStruct((n, d2), jnp.int32),
    )(adj8, x2, b2r)

    idx_flat = sample.astype(jnp.int32).T.reshape(1, n * w)
    g32 = _sc_gather(hn32, idx_flat, n * w, d2)
    g32 = g32.reshape(w, n, d2)

    tt = 1000
    loss = pl.pallas_call(
        functools.partial(_loss_body, n_rows=float(n)),
        grid=(n // tt,),
        in_specs=[
            pl.BlockSpec((tt, d2), lambda i: (i, 0)),
            pl.BlockSpec((w, tt, d2), lambda i: (0, i, 0)),
        ],
        out_specs=pl.BlockSpec(memory_space=pltpu.SMEM),
        out_shape=jax.ShapeDtypeStruct((1, 1), jnp.float32),
    )(hn32, g32)

    return loss.reshape(())

# --- scband reference (transcript-rebuilt; emitter-appended) ---
"""Pipeline reference for scband-pre-prompt-75496935129280 (READ-ONLY COPY).

The authoritative reference and input builder live on the scoring server;
editing this copy changes nothing except your own understanding.
"""

import jax, jax.numpy as jnp
import numpy as np

N = 10000
D_IN = 256
D_H = 256
TUPLE_W = 6


def elu(x):
    return jnp.where(x > 0, x, jnp.expm1(x))


def _glorot(key, shape):
    lim = float(np.sqrt(6.0 / (shape[0] + shape[1])))
    return jax.random.uniform(key, shape, jnp.float32, minval=-lim, maxval=lim)


def setup_inputs(seed: int = 0) -> dict:
    key = jax.random.key(seed)
    k1, k2, k3, k4, k5 = jax.random.split(key, 5)
    feature = jax.random.normal(k1, (N, D_IN), jnp.float32)
    adj = jax.random.uniform(k2, (N, N), jnp.float32)
    sample = jax.random.randint(k3, (N, TUPLE_W), 0, N)
    W1 = _glorot(k4, (D_IN, D_H))
    b1 = jnp.zeros((D_H,), jnp.float32)
    W2 = _glorot(k5, (D_H, D_H))
    b2 = jnp.zeros((D_H,), jnp.float32)
    return {"feature": feature, "adj": adj, "sample": sample,
            "W1": W1, "b1": b1, "W2": W2, "b2": b2}


def mygather(feat, index):
    # torch.gather along dim 0 with broadcast index == fancy row gather
    input_size = index.shape[0]
    flat = index.reshape(-1)
    res = jnp.take(feat, flat, axis=0)
    return res.reshape(input_size, -1, feat.shape[1])


def compareloss(feat, tuples, temperature):
    h_tuples = mygather(feat, tuples)              # [T, W, d]
    T = tuples.shape[0]
    temp = jnp.broadcast_to(jnp.arange(T).reshape(-1, 1), (T, tuples.shape[1]))
    h_i = mygather(feat, temp)                     # [T, W, d]
    num = jnp.sum(h_i * h_tuples, axis=2)
    den = jnp.linalg.norm(h_i, axis=2) * jnp.linalg.norm(h_tuples, axis=2)
    sim = num / jnp.maximum(den, 1e-8)             # cosine similarity, dim=2
    exp = jnp.exp(sim) / temperature
    exp = exp.T                                    # [W, T]
    numerator = exp[0].reshape(-1, 1)
    denominator = exp[1:]
    denominator = denominator.T.sum(axis=1, keepdims=True)
    res = -1.0 * jnp.log(numerator / denominator)
    return res.mean()


def gcn_forward(feature, adj, W1, b1, W2, b2):
    # GcnLayers: stacked GCN layers h = ELU(adj @ (h @ W) + b), dropout off (eval)
    h = elu(adj @ (feature @ W1) + b1)
    h = elu(adj @ (h @ W2) + b2)
    return h


def reference(feature, adj, sample, W1, b1, W2, b2):
    logits3 = gcn_forward(feature, adj, W1, b1, W2, b2)
    logits3 = elu(logits3)          # self.sigm = nn.ELU()
    logits = logits3                # gp == 0 path
    lploss = compareloss(logits, sample, temperature=10.0)
    return lploss

if __name__ == "__main__":
    import jax
    _d = setup_inputs()
    print(jax.jit(kernel)(*tuple(_d.values())))

</pallas_src>

<mosaic_0001>
#map = affine_map<(d0, d1) -> (0, 0)>
#map1 = affine_map<(d0, d1) -> (0, 0, 0)>
module attributes {stable_mosaic.version = 14 : i64} {
  func.func @kern(%arg0: i32, %arg1: i32, %arg2: memref<10000x128xi32, #tpu.memory_space<hbm>>, %arg3: memref<250x1x240xi32, #tpu.memory_space<hbm>>, %arg4: memref<60000x128xi32, #tpu.memory_space<hbm>>) attributes {dimension_semantics = [#tpu.dimension_semantics<core_parallel>, #tpu.dimension_semantics<subcore_parallel>], iteration_bounds = array<i64: 2, 16>, scalar_prefetch = 0 : i64, scratch_operands = 0 : i64, tpu.core_type = #tpu.core_type<sc_vector_subcore>, window_params = [{transform_indices = #map}, {transform_indices = #map1}, {transform_indices = #map}]} {
    %mul3A = arith.constant 1 : i32
    %mul3A_0 = arith.muli %arg1, %mul3A : i32
    %add3A = arith.constant 0 : i32
    %add3A_1 = arith.addi %add3A, %mul3A_0 : i32
    %mul3A_2 = arith.constant 16 : i32
    %mul3A_3 = arith.muli %arg0, %mul3A_2 : i32
    %add3A_4 = arith.addi %add3A_1, %mul3A_3 : i32
    %lt3A = arith.constant 26 : i32
    %lt3A_5 = arith.cmpi slt, %add3A_4, %lt3A : i32
    %jit3A = arith.constant 8 : i32
    %jit3A_6 = arith.constant 7 : i32
    %select_n3A = arith.select %lt3A_5, %jit3A, %jit3A_6 : i32
    %lt3A_7 = arith.constant 26 : i32
    %lt3A_8 = arith.cmpi slt, %add3A_4, %lt3A_7 : i32
    %mul3A_9 = arith.muli %add3A_4, %select_n3A : i32
    %mul3A_10 = arith.constant 7 : i32
    %mul3A_11 = arith.muli %add3A_4, %mul3A_10 : i32
    %add3A_12 = arith.constant 26 : i32
    %add3A_13 = arith.addi %mul3A_11, %add3A_12 : i32
    %select_n3A_14 = arith.select %lt3A_8, %mul3A_9, %add3A_13 : i32
    %mul3A_15 = arith.constant 1 : i32
    %mul3A_16 = arith.muli %mul3A_15, %select_n3A : i32
    "tpu.region"() ({
      %run_scoped3A = memref.alloca() : memref<2x1x1x240xi32, #tpu.memory_space<vmem>>
      %run_scoped3A_17 = tpu.sem_alloc : memref<2x!tpu.dma_semaphore, #tpu.memory_space<semaphore_mem>>
      %run_scoped3A_18 = memref.alloca() : memref<2x240x128xi32, #tpu.memory_space<vmem>>
      %run_scoped3A_19 = tpu.sem_alloc : memref<2x!tpu.dma_semaphore, #tpu.memory_space<semaphore_mem>>
      %gt3A = arith.constant 0 : i32
      %gt3A_20 = arith.cmpi sgt, %mul3A_16, %gt3A : i32
      %convert_element_type3A = arith.extui %gt3A_20 : i1 to i32
      %cond3A = arith.constant 0 : i32
      %cond3A_21 = arith.cmpi ne, %convert_element_type3A, %cond3A : i32
      scf.if %cond3A_21 {
        %mul3A_22 = arith.constant 1 : i32
        %mul3A_23 = arith.muli %mul3A_22, %select_n3A : i32
        %sub3A = arith.constant 1 : i32
        %sub3A_24 = arith.subi %mul3A_23, %sub3A : i32
        %eq3A = arith.constant 0 : i32
        %eq3A_25 = arith.cmpi eq, %sub3A_24, %eq3A : i32
        %add3A_26 = arith.constant 0 : i32
        %add3A_27 = arith.addi %add3A_26, %select_n3A_14 : i32
        %select_n3A_28 = arith.constant true
        %select_n3A_29 = arith.constant 0 : i32
        %select_n3A_30 = arith.constant -1 : i32
        %select_n3A_31 = arith.select %select_n3A_28, %select_n3A_30, %select_n3A_29 : i32
        %eq3A_32 = arith.constant -1 : i32
        %eq3A_33 = arith.cmpi eq, %select_n3A_31, %eq3A_32 : i32
        %sub3A_34 = arith.constant 1 : i32
        %sub3A_35 = arith.subi %select_n3A, %sub3A_34 : i32
        %select_n3A_36 = arith.select %eq3A_33, %sub3A_35, %select_n3A_31 : i32
        %add3A_37 = arith.addi %select_n3A_36, %select_n3A_14 : i32
        %select_n3A_38 = arith.constant true
        %select_n3A_39 = arith.constant 0 : i32
        %select_n3A_40 = arith.constant 1 : i32
        %select_n3A_41 = arith.select %select_n3A_38, %select_n3A_40, %select_n3A_39 : i32
        %eq3A_42 = arith.cmpi eq, %select_n3A_41, %select_n3A : i32
        %select_n3A_43 = arith.constant 0 : i32
        %select_n3A_44 = arith.select %eq3A_42, %select_n3A_43, %select_n3A_41 : i32
        %add3A_45 = arith.addi %select_n3A_44, %select_n3A_14 : i32
        %add3A_46 = arith.constant 1 : i32
        %add3A_47 = arith.addi %select_n3A_44, %add3A_46 : i32
        %select_n3A_48 = arith.constant true
        %select_n3A_49 = arith.select %select_n3A_48, %add3A_47, %select_n3A_44 : i32
        %eq3A_50 = arith.cmpi eq, %select_n3A_49, %select_n3A : i32
        %select_n3A_51 = arith.constant 0 : i32
        %select_n3A_52 = arith.select %eq3A_50, %select_n3A_51, %select_n3A_49 : i32
        %add3A_53 = arith.addi %select_n3A_52, %select_n3A_14 : i32
        "tpu.trace_start"() <{level = 10 : i32, message = "ep_initialize_0"}> : () -> ()
        %rem3A = arith.constant 0 : i32
        %rem3A_54 = arith.constant 2 : i32
        %rem3A_55 = arith.remui %rem3A, %rem3A_54 : i32
        %mul3A_56 = arith.constant 1 : i32
        %mul3A_57 = arith.muli %mul3A_56, %add3A_27 : i32
        %dma_start3A = arith.constant 0 : i32
        %dma_start3A_58 = arith.constant 0 : i32
        %dma_start3A_59 = arith.constant 0 : i32
        %dma_start3A_60 = tpu.memref_slice %run_scoped3A[%rem3A_55, %dma_start3A, %dma_start3A_58, %dma_start3A_59] : memref<2x1x1x240xi32, #tpu.memory_space<vmem>> -> memref<1x1x1x240xi32, #tpu.memory_space<vmem>>
        %dma_start3A_61 = tpu.memref_squeeze %dma_start3A_60 : memref<1x1x1x240xi32, #tpu.memory_space<vmem>> -> memref<1x1x240xi32, #tpu.memory_space<vmem>>
        %dma_start3A_62 = arith.constant 0 : i32
        %dma_start3A_63 = arith.constant 0 : i32
        %dma_start3A_64 = tpu.memref_slice %arg3[%mul3A_57, %dma_start3A_62, %dma_start3A_63] : memref<250x1x240xi32, #tpu.memory_space<hbm>> -> memref<1x1x240xi32, #tpu.memory_space<hbm>>
        %dma_start3A_65 = tpu.memref_slice %run_scoped3A_17[%rem3A_55] : memref<2x!tpu.dma_semaphore, #tpu.memory_space<semaphore_mem>> -> memref<1x!tpu.dma_semaphore, #tpu.memory_space<semaphore_mem>>
        %dma_start3A_66 = tpu.memref_squeeze %dma_start3A_65 : memref<1x!tpu.dma_semaphore, #tpu.memory_space<semaphore_mem>> -> memref<!tpu.dma_semaphore, #tpu.memory_space<semaphore_mem>>
        %dma_start3A_67 = arith.constant 0 : i32
        %dma_start3A_68 = arith.constant 0 : i32
        %dma_start3A_69 = arith.constant 0 : i32
        %dma_start3A_70 = tpu.memref_slice %run_scoped3A[%rem3A_55, %dma_start3A_67, %dma_start3A_68, %dma_start3A_69] : memref<2x1x1x240xi32, #tpu.memory_space<vmem>> -> memref<1x1x1x240xi32, #tpu.memory_space<vmem>>
        %dma_start3A_71 = tpu.memref_squeeze %dma_start3A_70 : memref<1x1x1x240xi32, #tpu.memory_space<vmem>> -> memref<1x1x240xi32, #tpu.memory_space<vmem>>
        %dma_start3A_72 = arith.constant 0 : i32
        %dma_start3A_73 = arith.constant 0 : i32
        %dma_start3A_74 = tpu.memref_slice %arg3[%mul3A_57, %dma_start3A_72, %dma_start3A_73] : memref<250x1x240xi32, #tpu.memory_space<hbm>> -> memref<1x1x240xi32, #tpu.memory_space<hbm>>
        tpu.enqueue_dma source(%dma_start3A_74 : memref<1x1x240xi32, #tpu.memory_space<hbm>>) target(%dma_start3A_71 : memref<1x1x240xi32, #tpu.memory_space<vmem>>) target_semaphore(%dma_start3A_66 : memref<!tpu.dma_semaphore, #tpu.memory_space<semaphore_mem>>)
        %add3A_75 = arith.constant 0 : i32
        %add3A_76 = arith.constant 1 : i32
        %add3A_77 = arith.addi %add3A_75, %add3A_76 : i32
        %select_n3A_78 = arith.constant true
        %select_n3A_79 = arith.constant 0 : i32
        %select_n3A_80 = arith.select %select_n3A_78, %add3A_77, %select_n3A_79 : i32
        %while3A = arith.constant 0 : i32
        %while3A_81 = arith.constant 0 : i32
        %while3A_82 = arith.constant 0 : i32
        %while3A_83 = arith.constant 0 : i32
        %while3A_84 = arith.constant 0 : i32
        "tpu.trace_stop"() : () -> ()
        %while3A_85 = arith.subi %mul3A_16, %while3A : i32
        %while3A_86 = arith.addi %while3A, %while3A_85 : i32
        %while3A_87 = arith.constant 1 : i32
        %while3A_88 = arith.divsi %while3A_85, %while3A_87 : i32
        %while3A_89 = arith.muli %while3A_88, %while3A_87 : i32
        %while3A_90 = arith.addi %while3A, %while3A_89 : i32
        %while3A_91 = arith.constant 1 : i32
        %while3A_92:5 = scf.for %while3A_146 = %while3A to %while3A_90 step %while3A_91 iter_args(%while3A_147 = %select_n3A_80, %while3A_148 = %while3A_81, %while3A_149 = %while3A_82, %while3A_150 = %while3A_83, %while3A_151 = %while3A_84) -> (i32, i32, i32, i32, i32)  : i32 {
          %mul3A_152 = arith.constant 1 : i32
          %mul3A_153 = arith.muli %mul3A_152, %select_n3A : i32
          %eq3A_154 = arith.constant 0 : i32
          %eq3A_155 = arith.cmpi eq, %while3A_146, %eq3A_154 : i32
          %sub3A_156 = arith.constant 1 : i32
          %sub3A_157 = arith.subi %mul3A_153, %sub3A_156 : i32
          %eq3A_158 = arith.cmpi eq, %while3A_146, %sub3A_157 : i32
          %add3A_159 = arith.addi %while3A_151, %select_n3A_14 : i32
          %sub3A_160 = arith.constant 1 : i32
          %sub3A_161 = arith.subi %while3A_151, %sub3A_160 : i32
          %select_n3A_162 = arith.constant true
          %select_n3A_163 = arith.select %select_n3A_162, %sub3A_161, %while3A_151 : i32
          %eq3A_164 = arith.constant -1 : i32
          %eq3A_165 = arith.cmpi eq, %select_n3A_163, %eq3A_164 : i32
          %sub3A_166 = arith.constant 1 : i32
          %sub3A_167 = arith.subi %select_n3A, %sub3A_166 : i32
          %select_n3A_168 = arith.select %eq3A_165, %sub3A_167, %select_n3A_163 : i32
          %add3A_169 = arith.addi %select_n3A_168, %select_n3A_14 : i32
          %add3A_170 = arith.constant 1 : i32
          %add3A_171 = arith.addi %while3A_151, %add3A_170 : i32
          %select_n3A_172 = arith.constant true
          %select_n3A_173 = arith.select %select_n3A_172, %add3A_171, %while3A_151 : i32
          %eq3A_174 = arith.cmpi eq, %select_n3A_173, %select_n3A : i32
          %select_n3A_175 = arith.constant 0 : i32
          %select_n3A_176 = arith.select %eq3A_174, %select_n3A_175, %select_n3A_173 : i32
          %add3A_177 = arith.addi %select_n3A_176, %select_n3A_14 : i32
          %add3A_178 = arith.constant 1 : i32
          %add3A_179 = arith.addi %select_n3A_176, %add3A_178 : i32
          %select_n3A_180 = arith.constant true
          %select_n3A_181 = arith.select %select_n3A_180, %add3A_179, %select_n3A_176 : i32
          %eq3A_182 = arith.cmpi eq, %select_n3A_181, %select_n3A : i32
          %select_n3A_183 = arith.constant 0 : i32
          %select_n3A_184 = arith.select %eq3A_182, %select_n3A_183, %select_n3A_181 : i32
          %add3A_185 = arith.addi %select_n3A_184, %select_n3A_14 : i32
          %ne3A = arith.cmpi ne, %add3A_159, %add3A_177 : i32
          %or3A = arith.constant false
          %or3A_186 = arith.ori %or3A, %ne3A : i1
          %or3A_187 = arith.constant false
          %or3A_188 = arith.ori %or3A_186, %or3A_187 : i1
          %or3A_189 = arith.constant false
          %or3A_190 = arith.ori %or3A_188, %or3A_189 : i1
          %sub3A_191 = arith.constant 2 : i32
          %sub3A_192 = arith.subi %mul3A_153, %sub3A_191 : i32
          %add3A_193 = arith.constant 1 : i32
          %add3A_194 = arith.addi %sub3A_192, %add3A_193 : i32
          %ge3A = arith.cmpi sge, %while3A_146, %add3A_194 : i32
          %not3A = arith.constant true
          %not3A_195 = arith.xori %ge3A, %not3A : i1
          %and3A = arith.andi %or3A_190, %not3A_195 : i1
          %convert_element_type3A_196 = arith.extui %and3A : i1 to i32
          %cond3A_197 = arith.constant 0 : i32
          %cond3A_198 = arith.cmpi ne, %convert_element_type3A_196, %cond3A_197 : i32
          scf.if %cond3A_198 {
            "tpu.trace_start"() <{level = 10 : i32, message = "ep_copy_in"}> : () -> ()
            %rem3A_319 = arith.constant 2 : i32
            %rem3A_320 = arith.remui %while3A_147, %rem3A_319 : i32
            %mul3A_321 = arith.constant 1 : i32
            %mul3A_322 = arith.muli %mul3A_321, %add3A_177 : i32
            %dma_start3A_323 = arith.constant 0 : i32
            %dma_start3A_324 = arith.constant 0 : i32
            %dma_start3A_325 = arith.constant 0 : i32
            %dma_start3A_326 = tpu.memref_slice %run_scoped3A[%rem3A_320, %dma_start3A_323, %dma_start3A_324, %dma_start3A_325] : memref<2x1x1x240xi32, #tpu.memory_space<vmem>> -> memref<1x1x1x240xi32, #tpu.memory_space<vmem>>
            %dma_start3A_327 = tpu.memref_squeeze %dma_start3A_326 : memref<1x1x1x240xi32, #tpu.memory_space<vmem>> -> memref<1x1x240xi32, #tpu.memory_space<vmem>>
            %dma_start3A_328 = arith.constant 0 : i32
            %dma_start3A_329 = arith.constant 0 : i32
            %dma_start3A_330 = tpu.memref_slice %arg3[%mul3A_322, %dma_start3A_328, %dma_start3A_329] : memref<250x1x240xi32, #tpu.memory_space<hbm>> -> memref<1x1x240xi32, #tpu.memory_space<hbm>>
            %dma_start3A_331 = tpu.memref_slice %run_scoped3A_17[%rem3A_320] : memref<2x!tpu.dma_semaphore, #tpu.memory_space<semaphore_mem>> -> memref<1x!tpu.dma_semaphore, #tpu.memory_space<semaphore_mem>>
            %dma_start3A_332 = tpu.memref_squeeze %dma_start3A_331 : memref<1x!tpu.dma_semaphore, #tpu.memory_space<semaphore_mem>> -> memref<!tpu.dma_semaphore, #tpu.memory_space<semaphore_mem>>
            %dma_start3A_333 = arith.constant 0 : i32
            %dma_start3A_334 = arith.constant 0 : i32
            %dma_start3A_335 = arith.constant 0 : i32
            %dma_start3A_336 = tpu.memref_slice %run_scoped3A[%rem3A_320, %dma_start3A_333, %dma_start3A_334, %dma_start3A_335] : memref<2x1x1x240xi32, #tpu.memory_space<vmem>> -> memref<1x1x1x240xi32, #tpu.memory_space<vmem>>
            %dma_start3A_337 = tpu.memref_squeeze %dma_start3A_336 : memref<1x1x1x240xi32, #tpu.memory_space<vmem>> -> memref<1x1x240xi32, #tpu.memory_space<vmem>>
            %dma_start3A_338 = arith.constant 0 : i32
            %dma_start3A_339 = arith.constant 0 : i32
            %dma_start3A_340 = tpu.memref_slice %arg3[%mul3A_322, %dma_start3A_338, %dma_start3A_339] : memref<250x1x240xi32, #tpu.memory_space<hbm>> -> memref<1x1x240xi32, #tpu.memory_space<hbm>>
            tpu.enqueue_dma source(%dma_start3A_340 : memref<1x1x240xi32, #tpu.memory_space<hbm>>) target(%dma_start3A_337 : memref<1x1x240xi32, #tpu.memory_space<vmem>>) target_semaphore(%dma_start3A_332 : memref<!tpu.dma_semaphore, #tpu.memory_space<semaphore_mem>>)
            "tpu.trace_stop"() : () -> ()
          } else {
          }
          %and3A_199 = arith.constant true
          %and3A_200 = arith.andi %and3A, %and3A_199 : i1
          %add3A_201 = arith.constant 1 : i32
          %add3A_202 = arith.addi %while3A_147, %add3A_201 : i32
          %select_n3A_203 = arith.select %and3A_200, %add3A_202, %while3A_147 : i32
          %ne3A_204 = arith.cmpi ne, %add3A_159, %add3A_177 : i32
          %or3A_205 = arith.constant false
          %or3A_206 = arith.ori %or3A_205, %ne3A_204 : i1
          %or3A_207 = arith.constant false
          %or3A_208 = arith.ori %or3A_206, %or3A_207 : i1
          %sub3A_209 = arith.constant 2 : i32
          %sub3A_210 = arith.subi %mul3A_153, %sub3A_209 : i32
          %add3A_211 = arith.constant 1 : i32
          %add3A_212 = arith.addi %sub3A_210, %add3A_211 : i32
          %ge3A_213 = arith.cmpi sge, %while3A_146, %add3A_212 : i32
          %not3A_214 = arith.constant true
          %not3A_215 = arith.xori %ge3A_213, %not3A_214 : i1
          %and3A_216 = arith.andi %or3A_208, %not3A_215 : i1
          %ne3A_217 = arith.cmpi ne, %add3A_159, %add3A_169 : i32
          %or3A_218 = arith.constant false
          %or3A_219 = arith.ori %or3A_218, %ne3A_217 : i1
          %or3A_220 = arith.constant false
          %or3A_221 = arith.ori %or3A_219, %or3A_220 : i1
          %or3A_222 = arith.constant false
          %or3A_223 = arith.ori %or3A_221, %or3A_222 : i1
          %or3A_224 = arith.ori %or3A_223, %eq3A_155 : i1
          %convert_element_type3A_225 = arith.extui %or3A_224 : i1 to i32
          %cond3A_226 = arith.constant 0 : i32
          %cond3A_227 = arith.cmpi ne, %convert_element_type3A_225, %cond3A_226 : i32
          scf.if %cond3A_227 {
            "tpu.trace_start"() <{level = 10 : i32, message = "ep_wait_in"}> : () -> ()
            %mul3A_319 = arith.constant 1 : i32
            %mul3A_320 = arith.muli %mul3A_319, %add3A_159 : i32
            %rem3A_321 = arith.constant 2 : i32
            %rem3A_322 = arith.remui %while3A_148, %rem3A_321 : i32
            %dma_wait3A = arith.constant 0 : i32
            %dma_wait3A_323 = arith.constant 0 : i32
            %dma_wait3A_324 = arith.constant 0 : i32
            %dma_wait3A_325 = tpu.memref_slice %run_scoped3A[%rem3A_322, %dma_wait3A, %dma_wait3A_323, %dma_wait3A_324] : memref<2x1x1x240xi32, #tpu.memory_space<vmem>> -> memref<1x1x1x240xi32, #tpu.memory_space<vmem>>
            %dma_wait3A_326 = tpu.memref_squeeze %dma_wait3A_325 : memref<1x1x1x240xi32, #tpu.memory_space<vmem>> -> memref<1x1x240xi32, #tpu.memory_space<vmem>>
            %dma_wait3A_327 = arith.constant 0 : i32
            %dma_wait3A_328 = arith.constant 0 : i32
            %dma_wait3A_329 = tpu.memref_slice %arg3[%mul3A_320, %dma_wait3A_327, %dma_wait3A_328] : memref<250x1x240xi32, #tpu.memory_space<hbm>> -> memref<1x1x240xi32, #tpu.memory_space<hbm>>
            %dma_wait3A_330 = tpu.memref_slice %run_scoped3A_17[%rem3A_322] : memref<2x!tpu.dma_semaphore, #tpu.memory_space<semaphore_mem>> -> memref<1x!tpu.dma_semaphore, #tpu.memory_space<semaphore_mem>>
            %dma_wait3A_331 = tpu.memref_squeeze %dma_wait3A_330 : memref<1x!tpu.dma_semaphore, #tpu.memory_space<semaphore_mem>> -> memref<!tpu.dma_semaphore, #tpu.memory_space<semaphore_mem>>
            %dma_wait3A_332 = arith.constant 0 : i32
            %dma_wait3A_333 = arith.constant 0 : i32
            %dma_wait3A_334 = arith.constant 0 : i32
            %dma_wait3A_335 = tpu.memref_slice %run_scoped3A[%rem3A_322, %dma_wait3A_332, %dma_wait3A_333, %dma_wait3A_334] : memref<2x1x1x240xi32, #tpu.memory_space<vmem>> -> memref<1x1x1x240xi32, #tpu.memory_space<vmem>>
            %dma_wait3A_336 = tpu.memref_squeeze %dma_wait3A_335 : memref<1x1x1x240xi32, #tpu.memory_space<vmem>> -> memref<1x1x240xi32, #tpu.memory_space<vmem>>
            %dma_wait3A_337 = arith.constant 0 : i32
            %dma_wait3A_338 = arith.constant 0 : i32
            %dma_wait3A_339 = tpu.memref_slice %arg3[%mul3A_320, %dma_wait3A_337, %dma_wait3A_338] : memref<250x1x240xi32, #tpu.memory_space<hbm>> -> memref<1x1x240xi32, #tpu.memory_space<hbm>>
            tpu.wait_dma2 semaphore(%dma_wait3A_331 : memref<!tpu.dma_semaphore, #tpu.memory_space<semaphore_mem>>) src(%dma_wait3A_339 : memref<1x1x240xi32, #tpu.memory_space<hbm>>) dst(%dma_wait3A_336 : memref<1x1x240xi32, #tpu.memory_space<vmem>>)
            "tpu.trace_stop"() : () -> ()
          } else {
          }
          %ne3A_228 = arith.cmpi ne, %add3A_159, %add3A_169 : i32
          %or3A_229 = arith.constant false
          %or3A_230 = arith.ori %or3A_229, %ne3A_228 : i1
          %or3A_231 = arith.constant false
          %or3A_232 = arith.ori %or3A_230, %or3A_231 : i1
          %or3A_233 = arith.ori %or3A_232, %eq3A_155 : i1
          %convert_element_type3A_234 = arith.extui %or3A_233 : i1 to i32
          %cond3A_235 = arith.constant 0 : i32
          %cond3A_236 = arith.cmpi ne, %convert_element_type3A_234, %cond3A_235 : i32
          scf.if %cond3A_236 {
          } else {
          }
          %rem3A_237 = arith.constant 2 : i32
          %rem3A_238 = arith.remui %while3A_148, %rem3A_237 : i32
          %rem3A_239 = arith.constant 2 : i32
          %rem3A_240 = arith.remui %while3A_149, %rem3A_239 : i32
          %run_scoped3A_241 = arith.constant 0 : i32
          %run_scoped3A_242 = arith.constant 0 : i32
          "tpu.trace_start"() <{level = 10 : i32, message = "ep_run_kernel"}> : () -> ()
          "tpu.region"() ({
            %run_scoped3A_319 = tpu.sem_alloc : memref<!tpu.dma_semaphore, #tpu.memory_space<semaphore_mem>>
            %dma_start3A_320 = arith.constant 0 : i32
            %dma_start3A_321 = arith.constant 0 : i32
            %dma_start3A_322 = tpu.memref_slice %run_scoped3A_18[%rem3A_240, %dma_start3A_320, %dma_start3A_321] : memref<2x240x128xi32, #tpu.memory_space<vmem>> -> memref<1x240x128xi32, #tpu.memory_space<vmem>>
            %dma_start3A_323 = tpu.memref_squeeze %dma_start3A_322 : memref<1x240x128xi32, #tpu.memory_space<vmem>> -> memref<240x128xi32, #tpu.memory_space<vmem>>
            %dma_start3A_324 = arith.constant 0 : i32
            %dma_start3A_325 = arith.constant 0 : i32
            %dma_start3A_326 = arith.constant 0 : i32
            %dma_start3A_327 = tpu.memref_slice %run_scoped3A[%rem3A_238, %dma_start3A_324, %dma_start3A_325, %dma_start3A_326] : memref<2x1x1x240xi32, #tpu.memory_space<vmem>> -> memref<1x1x1x240xi32, #tpu.memory_space<vmem>>
            %dma_start3A_328 = tpu.memref_squeeze %dma_start3A_327 : memref<1x1x1x240xi32, #tpu.memory_space<vmem>> -> memref<1x1x240xi32, #tpu.memory_space<vmem>>
            %dma_start3A_329 = arith.constant 0 : i32
            %dma_start3A_330 = tpu.memref_slice %dma_start3A_328[%run_scoped3A_241, %run_scoped3A_242, %dma_start3A_329] : memref<1x1x240xi32, #tpu.memory_space<vmem>> -> memref<1x1x240xi32, #tpu.memory_space<vmem>>
            %dma_start3A_331 = tpu.memref_squeeze %dma_start3A_330 : memref<1x1x240xi32, #tpu.memory_space<vmem>> -> memref<240xi32, #tpu.memory_space<vmem>>
            %dma_start3A_332 = arith.constant 0 : i32
            %dma_start3A_333 = arith.constant 0 : i32
            %dma_start3A_334 = tpu.memref_slice %arg2[%dma_start3A_332, %dma_start3A_333] : memref<10000x128xi32, #tpu.memory_space<hbm>> -> memref<10000x128xi32, #tpu.memory_space<hbm>>
            tpu.enqueue_indirect_dma source(%dma_start3A_334 : memref<10000x128xi32, #tpu.memory_space<hbm>>) target(%dma_start3A_323 : memref<240x128xi32, #tpu.memory_space<vmem>>) offsets(%dma_start3A_331 : memref<240xi32, #tpu.memory_space<vmem>>) semaphore(%run_scoped3A_319 : memref<!tpu.dma_semaphore, #tpu.memory_space<semaphore_mem>>)
            %dma_wait3A = arith.constant 0 : i32
            %dma_wait3A_335 = arith.constant 0 : i32
            %dma_wait3A_336 = tpu.memref_slice %run_scoped3A_18[%rem3A_240, %dma_wait3A, %dma_wait3A_335] : memref<2x240x128xi32, #tpu.memory_space<vmem>> -> memref<1x240x128xi32, #tpu.memory_space<vmem>>
            %dma_wait3A_337 = tpu.memref_squeeze %dma_wait3A_336 : memref<1x240x128xi32, #tpu.memory_space<vmem>> -> memref<240x128xi32, #tpu.memory_space<vmem>>
            %dma_wait3A_338 = arith.constant 0 : i32
            %dma_wait3A_339 = arith.constant 0 : i32
            %dma_wait3A_340 = arith.constant 0 : i32
            %dma_wait3A_341 = tpu.memref_slice %run_scoped3A[%rem3A_238, %dma_wait3A_338, %dma_wait3A_339, %dma_wait3A_340] : memref<2x1x1x240xi32, #tpu.memory_space<vmem>> -> memref<1x1x1x240xi32, #tpu.memory_space<vmem>>
            %dma_wait3A_342 = tpu.memref_squeeze %dma_wait3A_341 : memref<1x1x1x240xi32, #tpu.memory_space<vmem>> -> memref<1x1x240xi32, #tpu.memory_space<vmem>>
            %dma_wait3A_343 = arith.constant 0 : i32
            %dma_wait3A_344 = tpu.memref_slice %dma_wait3A_342[%run_scoped3A_241, %run_scoped3A_242, %dma_wait3A_343] : memref<1x1x240xi32, #tpu.memory_space<vmem>> -> memref<1x1x240xi32, #tpu.memory_space<vmem>>
            %dma_wait3A_345 = tpu.memref_squeeze %dma_wait3A_344 : memref<1x1x240xi32, #tpu.memory_space<vmem>> -> memref<240xi32, #tpu.memory_space<vmem>>
            %dma_wait3A_346 = arith.constant 0 : i32
            %dma_wait3A_347 = arith.constant 0 : i32
            %dma_wait3A_348 = tpu.memref_slice %arg2[%dma_wait3A_346, %dma_wait3A_347] : memref<10000x128xi32, #tpu.memory_space<hbm>> -> memref<10000x128xi32, #tpu.memory_space<hbm>>
            tpu.wait_indirect_dma semaphore(%run_scoped3A_319 : memref<!tpu.dma_semaphore, #tpu.memory_space<semaphore_mem>>) src(%dma_wait3A_348 : memref<10000x128xi32, #tpu.memory_space<hbm>>) dst(%dma_wait3A_337 : memref<240x128xi32, #tpu.memory_space<vmem>>)
            tpu.yield
          }) : () -> ()
          "tpu.trace_stop"() : () -> ()
          %ne3A_243 = arith.cmpi ne, %add3A_159, %add3A_177 : i32
          %or3A_244 = arith.constant false
          %or3A_245 = arith.ori %or3A_244, %ne3A_243 : i1
          %or3A_246 = arith.constant false
          %or3A_247 = arith.ori %or3A_245, %or3A_246 : i1
          %or3A_248 = arith.constant false
          %or3A_249 = arith.ori %or3A_247, %or3A_248 : i1
          %or3A_250 = arith.ori %or3A_249, %eq3A_158 : i1
          %convert_element_type3A_251 = arith.extui %or3A_250 : i1 to i32
          %cond3A_252 = arith.constant 0 : i32
          %cond3A_253 = arith.cmpi ne, %convert_element_type3A_251, %cond3A_252 : i32
          scf.if %cond3A_253 {
          } else {
          }
          %and3A_254 = arith.constant false
          %and3A_255 = arith.andi %or3A_250, %and3A_254 : i1
          %ne3A_256 = arith.cmpi ne, %add3A_159, %add3A_177 : i32
          %or3A_257 = arith.constant false
          %or3A_258 = arith.ori %or3A_257, %ne3A_256 : i1
          %or3A_259 = arith.constant false
          %or3A_260 = arith.ori %or3A_258, %or3A_259 : i1
          %or3A_261 = arith.ori %or3A_260, %eq3A_158 : i1
          %convert_element_type3A_262 = arith.extui %or3A_261 : i1 to i32
          %cond3A_263 = arith.constant 0 : i32
          %cond3A_264 = arith.cmpi ne, %convert_element_type3A_262, %cond3A_263 : i32
          scf.if %cond3A_264 {
            "tpu.trace_start"() <{level = 10 : i32, message = "ep_copy_out"}> : () -> ()
            %rem3A_319 = arith.constant 2 : i32
            %rem3A_320 = arith.remui %while3A_149, %rem3A_319 : i32
            %mul3A_321 = arith.constant 240 : i32
            %mul3A_322 = arith.muli %mul3A_321, %add3A_159 : i32
            %dma_start3A_323 = arith.constant 0 : i32
            %dma_start3A_324 = arith.constant 0 : i32
            %dma_start3A_325 = tpu.memref_slice %run_scoped3A_18[%rem3A_320, %dma_start3A_323, %dma_start3A_324] : memref<2x240x128xi32, #tpu.memory_space<vmem>> -> memref<1x240x128xi32, #tpu.memory_space<vmem>>
            %dma_start3A_326 = tpu.memref_squeeze %dma_start3A_325 : memref<1x240x128xi32, #tpu.memory_space<vmem>> -> memref<240x128xi32, #tpu.memory_space<vmem>>
            %dma_start3A_327 = arith.constant 0 : i32
            %dma_start3A_328 = tpu.memref_slice %arg4[%mul3A_322, %dma_start3A_327] : memref<60000x128xi32, #tpu.memory_space<hbm>> -> memref<240x128xi32, #tpu.memory_space<hbm>>
            %dma_start3A_329 = tpu.memref_slice %run_scoped3A_19[%rem3A_320] : memref<2x!tpu.dma_semaphore, #tpu.memory_space<semaphore_mem>> -> memref<1x!tpu.dma_semaphore, #tpu.memory_space<semaphore_mem>>
            %dma_start3A_330 = tpu.memref_squeeze %dma_start3A_329 : memref<1x!tpu.dma_semaphore, #tpu.memory_space<semaphore_mem>> -> memref<!tpu.dma_semaphore, #tpu.memory_space<semaphore_mem>>
            %dma_start3A_331 = arith.constant 0 : i32
            %dma_start3A_332 = tpu.memref_slice %arg4[%mul3A_322, %dma_start3A_331] : memref<60000x128xi32, #tpu.memory_space<hbm>> -> memref<240x128xi32, #tpu.memory_space<hbm>>
            %dma_start3A_333 = arith.constant 0 : i32
            %dma_start3A_334 = arith.constant 0 : i32
            %dma_start3A_335 = tpu.memref_slice %run_scoped3A_18[%rem3A_320, %dma_start3A_333, %dma_start3A_334] : memref<2x240x128xi32, #tpu.memory_space<vmem>> -> memref<1x240x128xi32, #tpu.memory_space<vmem>>
            %dma_start3A_336 = tpu.memref_squeeze %dma_start3A_335 : memref<1x240x128xi32, #tpu.memory_space<vmem>> -> memref<240x128xi32, #tpu.memory_space<vmem>>
            tpu.enqueue_dma source(%dma_start3A_336 : memref<240x128xi32, #tpu.memory_space<vmem>>) target(%dma_start3A_332 : memref<240x128xi32, #tpu.memory_space<hbm>>) target_semaphore(%dma_start3A_330 : memref<!tpu.dma_semaphore, #tpu.memory_space<semaphore_mem>>)
            "tpu.trace_stop"() : () -> ()
          } else {
          }
          %and3A_265 = arith.constant true
          %and3A_266 = arith.andi %or3A_261, %and3A_265 : i1
          %add3A_267 = arith.constant 1 : i32
          %add3A_268 = arith.addi %while3A_149, %add3A_267 : i32
          %select_n3A_269 = arith.select %and3A_266, %add3A_268, %while3A_149 : i32
          %ne3A_270 = arith.cmpi ne, %add3A_159, %add3A_169 : i32
          %or3A_271 = arith.constant false
          %or3A_272 = arith.ori %or3A_271, %ne3A_270 : i1
          %or3A_273 = arith.constant false
          %or3A_274 = arith.ori %or3A_272, %or3A_273 : i1
          %or3A_275 = arith.constant false
          %or3A_276 = arith.ori %or3A_274, %or3A_275 : i1
          %not3A_277 = arith.constant true
          %not3A_278 = arith.xori %eq3A_155, %not3A_277 : i1
          %and3A_279 = arith.andi %or3A_276, %not3A_278 : i1
          %convert_element_type3A_280 = arith.extui %and3A_279 : i1 to i32
          %cond3A_281 = arith.constant 0 : i32
          %cond3A_282 = arith.cmpi ne, %convert_element_type3A_280, %cond3A_281 : i32
          scf.if %cond3A_282 {
          } else {
          }
          %and3A_283 = arith.constant false
          %and3A_284 = arith.andi %and3A_279, %and3A_283 : i1
          %ne3A_285 = arith.cmpi ne, %add3A_159, %add3A_169 : i32
          %or3A_286 = arith.constant false
          %or3A_287 = arith.ori %or3A_286, %ne3A_285 : i1
          %or3A_288 = arith.constant false
          %or3A_289 = arith.ori %or3A_287, %or3A_288 : i1
          %not3A_290 = arith.constant true
          %not3A_291 = arith.xori %eq3A_155, %not3A_290 : i1
          %and3A_292 = arith.andi %or3A_289, %not3A_291 : i1
          %convert_element_type3A_293 = arith.extui %and3A_292 : i1 to i32
          %cond3A_294 = arith.constant 0 : i32
          %cond3A_295 = arith.cmpi ne, %convert_element_type3A_293, %cond3A_294 : i32
          scf.if %cond3A_295 {
            "tpu.trace_start"() <{level = 10 : i32, message = "ep_wait_out"}> : () -> ()
            %rem3A_319 = arith.constant 2 : i32
            %rem3A_320 = arith.remui %while3A_150, %rem3A_319 : i32
            %mul3A_321 = arith.constant 240 : i32
            %mul3A_322 = arith.muli %mul3A_321, %add3A_169 : i32
            %dma_wait3A = arith.constant 0 : i32
            %dma_wait3A_323 = arith.constant 0 : i32
            %dma_wait3A_324 = tpu.memref_slice %run_scoped3A_18[%rem3A_320, %dma_wait3A, %dma_wait3A_323] : memref<2x240x128xi32, #tpu.memory_space<vmem>> -> memref<1x240x128xi32, #tpu.memory_space<vmem>>
            %dma_wait3A_325 = tpu.memref_squeeze %dma_wait3A_324 : memref<1x240x128xi32, #tpu.memory_space<vmem>> -> memref<240x128xi32, #tpu.memory_space<vmem>>
            %dma_wait3A_326 = arith.constant 0 : i32
            %dma_wait3A_327 = tpu.memref_slice %arg4[%mul3A_322, %dma_wait3A_326] : memref<60000x128xi32, #tpu.memory_space<hbm>> -> memref<240x128xi32, #tpu.memory_space<hbm>>
            %dma_wait3A_328 = tpu.memref_slice %run_scoped3A_19[%rem3A_320] : memref<2x!tpu.dma_semaphore, #tpu.memory_space<semaphore_mem>> -> memref<1x!tpu.dma_semaphore, #tpu.memory_space<semaphore_mem>>
            %dma_wait3A_329 = tpu.memref_squeeze %dma_wait3A_328 : memref<1x!tpu.dma_semaphore, #tpu.memory_space<semaphore_mem>> -> memref<!tpu.dma_semaphore, #tpu.memory_space<semaphore_mem>>
            %dma_wait3A_330 = arith.constant 0 : i32
            %dma_wait3A_331 = tpu.memref_slice %arg4[%mul3A_322, %dma_wait3A_330] : memref<60000x128xi32, #tpu.memory_space<hbm>> -> memref<240x128xi32, #tpu.memory_space<hbm>>
            %dma_wait3A_332 = arith.constant 0 : i32
            %dma_wait3A_333 = arith.constant 0 : i32
            %dma_wait3A_334 = tpu.memref_slice %run_scoped3A_18[%rem3A_320, %dma_wait3A_332, %dma_wait3A_333] : memref<2x240x128xi32, #tpu.memory_space<vmem>> -> memref<1x240x128xi32, #tpu.memory_space<vmem>>
            %dma_wait3A_335 = tpu.memref_squeeze %dma_wait3A_334 : memref<1x240x128xi32, #tpu.memory_space<vmem>> -> memref<240x128xi32, #tpu.memory_space<vmem>>
            tpu.wait_dma2 semaphore(%dma_wait3A_329 : memref<!tpu.dma_semaphore, #tpu.memory_space<semaphore_mem>>) src(%dma_wait3A_335 : memref<240x128xi32, #tpu.memory_space<vmem>>) dst(%dma_wait3A_331 : memref<240x128xi32, #tpu.memory_space<hbm>>)
            "tpu.trace_stop"() : () -> ()
          } else {
          }
          %and3A_296 = arith.constant true
          %and3A_297 = arith.andi %and3A_292, %and3A_296 : i1
          %add3A_298 = arith.constant 1 : i32
          %add3A_299 = arith.addi %while3A_150, %add3A_298 : i32
          %select_n3A_300 = arith.select %and3A_297, %add3A_299, %while3A_150 : i32
          %ne3A_301 = arith.cmpi ne, %add3A_159, %add3A_177 : i32
          %or3A_302 = arith.constant false
          %or3A_303 = arith.ori %or3A_302, %ne3A_301 : i1
          %or3A_304 = arith.constant false
          %or3A_305 = arith.ori %or3A_303, %or3A_304 : i1
          %or3A_306 = arith.constant false
          %or3A_307 = arith.ori %or3A_305, %or3A_306 : i1
          %or3A_308 = arith.ori %or3A_307, %eq3A_158 : i1
          %add3A_309 = arith.constant 1 : i32
          %add3A_310 = arith.addi %while3A_148, %add3A_309 : i32
          %select_n3A_311 = arith.select %or3A_308, %add3A_310, %while3A_148 : i32
          %add3A_312 = arith.constant 1 : i32
          %add3A_313 = arith.addi %while3A_151, %add3A_312 : i32
          %select_n3A_314 = arith.constant true
          %select_n3A_315 = arith.select %select_n3A_314, %add3A_313, %while3A_151 : i32
          %eq3A_316 = arith.cmpi eq, %select_n3A_315, %select_n3A : i32
          %select_n3A_317 = arith.constant 0 : i32
          %select_n3A_318 = arith.select %eq3A_316, %select_n3A_317, %select_n3A_315 : i32
          scf.yield %select_n3A_203, %select_n3A_311, %select_n3A_269, %select_n3A_300, %select_n3A_318 : i32, i32, i32, i32, i32
        }
        %while3A_93 = arith.constant 1 : i32
        %while3A_94:5 = scf.for %while3A_146 = %while3A_90 to %while3A_86 step %while3A_93 iter_args(%while3A_147 = %while3A_92#0, %while3A_148 = %while3A_92#1, %while3A_149 = %while3A_92#2, %while3A_150 = %while3A_92#3, %while3A_151 = %while3A_92#4) -> (i32, i32, i32, i32, i32)  : i32 {
          %mul3A_152 = arith.constant 1 : i32
          %mul3A_153 = arith.muli %mul3A_152, %select_n3A : i32
          %eq3A_154 = arith.constant 0 : i32
          %eq3A_155 = arith.cmpi eq, %while3A_146, %eq3A_154 : i32
          %sub3A_156 = arith.constant 1 : i32
          %sub3A_157 = arith.subi %mul3A_153, %sub3A_156 : i32
          %eq3A_158 = arith.cmpi eq, %while3A_146, %sub3A_157 : i32
          %add3A_159 = arith.addi %while3A_151, %select_n3A_14 : i32
          %sub3A_160 = arith.constant 1 : i32
          %sub3A_161 = arith.subi %while3A_151, %sub3A_160 : i32
          %select_n3A_162 = arith.constant true
          %select_n3A_163 = arith.select %select_n3A_162, %sub3A_161, %while3A_151 : i32
          %eq3A_164 = arith.constant -1 : i32
          %eq3A_165 = arith.cmpi eq, %select_n3A_163, %eq3A_164 : i32
          %sub3A_166 = arith.constant 1 : i32
          %sub3A_167 = arith.subi %select_n3A, %sub3A_166 : i32
          %select_n3A_168 = arith.select %eq3A_165, %sub3A_167, %select_n3A_163 : i32
          %add3A_169 = arith.addi %select_n3A_168, %select_n3A_14 : i32
          %add3A_170 = arith.constant 1 : i32
          %add3A_171 = arith.addi %while3A_151, %add3A_170 : i32
          %select_n3A_172 = arith.constant true
          %select_n3A_173 = arith.select %select_n3A_172, %add3A_171, %while3A_151 : i32
          %eq3A_174 = arith.cmpi eq, %select_n3A_173, %select_n3A : i32
          %select_n3A_175 = arith.constant 0 : i32
          %select_n3A_176 = arith.select %eq3A_174, %select_n3A_175, %select_n3A_173 : i32
          %add3A_177 = arith.addi %select_n3A_176, %select_n3A_14 : i32
          %add3A_178 = arith.constant 1 : i32
          %add3A_179 = arith.addi %select_n3A_176, %add3A_178 : i32
          %select_n3A_180 = arith.constant true
          %select_n3A_181 = arith.select %select_n3A_180, %add3A_179, %select_n3A_176 : i32
          %eq3A_182 = arith.cmpi eq, %select_n3A_181, %select_n3A : i32
          %select_n3A_183 = arith.constant 0 : i32
          %select_n3A_184 = arith.select %eq3A_182, %select_n3A_183, %select_n3A_181 : i32
          %add3A_185 = arith.addi %select_n3A_184, %select_n3A_14 : i32
          %ne3A = arith.cmpi ne, %add3A_159, %add3A_177 : i32
          %or3A = arith.constant false
          %or3A_186 = arith.ori %or3A, %ne3A : i1
          %or3A_187 = arith.constant false
          %or3A_188 = arith.ori %or3A_186, %or3A_187 : i1
          %or3A_189 = arith.constant false
          %or3A_190 = arith.ori %or3A_188, %or3A_189 : i1
          %sub3A_191 = arith.constant 2 : i32
          %sub3A_192 = arith.subi %mul3A_153, %sub3A_191 : i32
          %add3A_193 = arith.constant 1 : i32
          %add3A_194 = arith.addi %sub3A_192, %add3A_193 : i32
          %ge3A = arith.cmpi sge, %while3A_146, %add3A_194 : i32
          %not3A = arith.constant true
          %not3A_195 = arith.xori %ge3A, %not3A : i1
          %and3A = arith.andi %or3A_190, %not3A_195 : i1
          %convert_element_type3A_196 = arith.extui %and3A : i1 to i32
          %cond3A_197 = arith.constant 0 : i32
          %cond3A_198 = arith.cmpi ne, %convert_element_type3A_196, %cond3A_197 : i32
          scf.if %cond3A_198 {
            "tpu.trace_start"() <{level = 10 : i32, message = "ep_copy_in"}> : () -> ()
            %rem3A_319 = arith.constant 2 : i32
            %rem3A_320 = arith.remui %while3A_147, %rem3A_319 : i32
            %mul3A_321 = arith.constant 1 : i32
            %mul3A_322 = arith.muli %mul3A_321, %add3A_177 : i32
            %dma_start3A_323 = arith.constant 0 : i32
            %dma_start3A_324 = arith.constant 0 : i32
            %dma_start3A_325 = arith.constant 0 : i32
            %dma_start3A_326 = tpu.memref_slice %run_scoped3A[%rem3A_320, %dma_start3A_323, %dma_start3A_324, %dma_start3A_325] : memref<2x1x1x240xi32, #tpu.memory_space<vmem>> -> memref<1x1x1x240xi32, #tpu.memory_space<vmem>>
            %dma_start3A_327 = tpu.memref_squeeze %dma_start3A_326 : memref<1x1x1x240xi32, #tpu.memory_space<vmem>> -> memref<1x1x240xi32, #tpu.memory_space<vmem>>
            %dma_start3A_328 = arith.constant 0 : i32
            %dma_start3A_329 = arith.constant 0 : i32
            %dma_start3A_330 = tpu.memref_slice %arg3[%mul3A_322, %dma_start3A_328, %dma_start3A_329] : memref<250x1x240xi32, #tpu.memory_space<hbm>> -> memref<1x1x240xi32, #tpu.memory_space<hbm>>
            %dma_start3A_331 = tpu.memref_slice %run_scoped3A_17[%rem3A_320] : memref<2x!tpu.dma_semaphore, #tpu.memory_space<semaphore_mem>> -> memref<1x!tpu.dma_semaphore, #tpu.memory_space<semaphore_mem>>
            %dma_start3A_332 = tpu.memref_squeeze %dma_start3A_331 : memref<1x!tpu.dma_semaphore, #tpu.memory_space<semaphore_mem>> -> memref<!tpu.dma_semaphore, #tpu.memory_space<semaphore_mem>>
            %dma_start3A_333 = arith.constant 0 : i32
            %dma_start3A_334 = arith.constant 0 : i32
            %dma_start3A_335 = arith.constant 0 : i32
            %dma_start3A_336 = tpu.memref_slice %run_scoped3A[%rem3A_320, %dma_start3A_333, %dma_start3A_334, %dma_start3A_335] : memref<2x1x1x240xi32, #tpu.memory_space<vmem>> -> memref<1x1x1x240xi32, #tpu.memory_space<vmem>>
            %dma_start3A_337 = tpu.memref_squeeze %dma_start3A_336 : memref<1x1x1x240xi32, #tpu.memory_space<vmem>> -> memref<1x1x240xi32, #tpu.memory_space<vmem>>
            %dma_start3A_338 = arith.constant 0 : i32
            %dma_start3A_339 = arith.constant 0 : i32
            %dma_start3A_340 = tpu.memref_slice %arg3[%mul3A_322, %dma_start3A_338, %dma_start3A_339] : memref<250x1x240xi32, #tpu.memory_space<hbm>> -> memref<1x1x240xi32, #tpu.memory_space<hbm>>
            tpu.enqueue_dma source(%dma_start3A_340 : memref<1x1x240xi32, #tpu.memory_space<hbm>>) target(%dma_start3A_337 : memref<1x1x240xi32, #tpu.memory_space<vmem>>) target_semaphore(%dma_start3A_332 : memref<!tpu.dma_semaphore, #tpu.memory_space<semaphore_mem>>)
            "tpu.trace_stop"() : () -> ()
          } else {
          }
          %and3A_199 = arith.constant true
          %and3A_200 = arith.andi %and3A, %and3A_199 : i1
          %add3A_201 = arith.constant 1 : i32
          %add3A_202 = arith.addi %while3A_147, %add3A_201 : i32
          %select_n3A_203 = arith.select %and3A_200, %add3A_202, %while3A_147 : i32
          %ne3A_204 = arith.cmpi ne, %add3A_159, %add3A_177 : i32
          %or3A_205 = arith.constant false
          %or3A_206 = arith.ori %or3A_205, %ne3A_204 : i1
          %or3A_207 = arith.constant false
          %or3A_208 = arith.ori %or3A_206, %or3A_207 : i1
          %sub3A_209 = arith.constant 2 : i32
          %sub3A_210 = arith.subi %mul3A_153, %sub3A_209 : i32
          %add3A_211 = arith.constant 1 : i32
          %add3A_212 = arith.addi %sub3A_210, %add3A_211 : i32
          %ge3A_213 = arith.cmpi sge, %while3A_146, %add3A_212 : i32
          %not3A_214 = arith.constant true
          %not3A_215 = arith.xori %ge3A_213, %not3A_214 : i1
          %and3A_216 = arith.andi %or3A_208, %not3A_215 : i1
          %ne3A_217 = arith.cmpi ne, %add3A_159, %add3A_169 : i32
          %or3A_218 = arith.constant false
          %or3A_219 = arith.ori %or3A_218, %ne3A_217 : i1
          %or3A_220 = arith.constant false
          %or3A_221 = arith.ori %or3A_219, %or3A_220 : i1
          %or3A_222 = arith.constant false
          %or3A_223 = arith.ori %or3A_221, %or3A_222 : i1
          %or3A_224 = arith.ori %or3A_223, %eq3A_155 : i1
          %convert_element_type3A_225 = arith.extui %or3A_224 : i1 to i32
          %cond3A_226 = arith.constant 0 : i32
          %cond3A_227 = arith.cmpi ne, %convert_element_type3A_225, %cond3A_226 : i32
          scf.if %cond3A_227 {
            "tpu.trace_start"() <{level = 10 : i32, message = "ep_wait_in"}> : () -> ()
            %mul3A_319 = arith.constant 1 : i32
            %mul3A_320 = arith.muli %mul3A_319, %add3A_159 : i32
            %rem3A_321 = arith.constant 2 : i32
            %rem3A_322 = arith.remui %while3A_148, %rem3A_321 : i32
            %dma_wait3A = arith.constant 0 : i32
            %dma_wait3A_323 = arith.constant 0 : i32
            %dma_wait3A_324 = arith.constant 0 : i32
            %dma_wait3A_325 = tpu.memref_slice %run_scoped3A[%rem3A_322, %dma_wait3A, %dma_wait3A_323, %dma_wait3A_324] : memref<2x1x1x240xi32, #tpu.memory_space<vmem>> -> memref<1x1x1x240xi32, #tpu.memory_space<vmem>>
            %dma_wait3A_326 = tpu.memref_squeeze %dma_wait3A_325 : memref<1x1x1x240xi32, #tpu.memory_space<vmem>> -> memref<1x1x240xi32, #tpu.memory_space<vmem>>
            %dma_wait3A_327 = arith.constant 0 : i32
            %dma_wait3A_328 = arith.constant 0 : i32
            %dma_wait3A_329 = tpu.memref_slice %arg3[%mul3A_320, %dma_wait3A_327, %dma_wait3A_328] : memref<250x1x240xi32, #tpu.memory_space<hbm>> -> memref<1x1x240xi32, #tpu.memory_space<hbm>>
            %dma_wait3A_330 = tpu.memref_slice %run_scoped3A_17[%rem3A_322] : memref<2x!tpu.dma_semaphore, #tpu.memory_space<semaphore_mem>> -> memref<1x!tpu.dma_semaphore, #tpu.memory_space<semaphore_mem>>
            %dma_wait3A_331 = tpu.memref_squeeze %dma_wait3A_330 : memref<1x!tpu.dma_semaphore, #tpu.memory_space<semaphore_mem>> -> memref<!tpu.dma_semaphore, #tpu.memory_space<semaphore_mem>>
            %dma_wait3A_332 = arith.constant 0 : i32
            %dma_wait3A_333 = arith.constant 0 : i32
            %dma_wait3A_334 = arith.constant 0 : i32
            %dma_wait3A_335 = tpu.memref_slice %run_scoped3A[%rem3A_322, %dma_wait3A_332, %dma_wait3A_333, %dma_wait3A_334] : memref<2x1x1x240xi32, #tpu.memory_space<vmem>> -> memref<1x1x1x240xi32, #tpu.memory_space<vmem>>
            %dma_wait3A_336 = tpu.memref_squeeze %dma_wait3A_335 : memref<1x1x1x240xi32, #tpu.memory_space<vmem>> -> memref<1x1x240xi32, #tpu.memory_space<vmem>>
            %dma_wait3A_337 = arith.constant 0 : i32
            %dma_wait3A_338 = arith.constant 0 : i32
            %dma_wait3A_339 = tpu.memref_slice %arg3[%mul3A_320, %dma_wait3A_337, %dma_wait3A_338] : memref<250x1x240xi32, #tpu.memory_space<hbm>> -> memref<1x1x240xi32, #tpu.memory_space<hbm>>
            tpu.wait_dma2 semaphore(%dma_wait3A_331 : memref<!tpu.dma_semaphore, #tpu.memory_space<semaphore_mem>>) src(%dma_wait3A_339 : memref<1x1x240xi32, #tpu.memory_space<hbm>>) dst(%dma_wait3A_336 : memref<1x1x240xi32, #tpu.memory_space<vmem>>)
            "tpu.trace_stop"() : () -> ()
          } else {
          }
          %ne3A_228 = arith.cmpi ne, %add3A_159, %add3A_169 : i32
          %or3A_229 = arith.constant false
          %or3A_230 = arith.ori %or3A_229, %ne3A_228 : i1
          %or3A_231 = arith.constant false
          %or3A_232 = arith.ori %or3A_230, %or3A_231 : i1
          %or3A_233 = arith.ori %or3A_232, %eq3A_155 : i1
          %convert_element_type3A_234 = arith.extui %or3A_233 : i1 to i32
          %cond3A_235 = arith.constant 0 : i32
          %cond3A_236 = arith.cmpi ne, %convert_element_type3A_234, %cond3A_235 : i32
          scf.if %cond3A_236 {
          } else {
          }
          %rem3A_237 = arith.constant 2 : i32
          %rem3A_238 = arith.remui %while3A_148, %rem3A_237 : i32
          %rem3A_239 = arith.constant 2 : i32
          %rem3A_240 = arith.remui %while3A_149, %rem3A_239 : i32
          %run_scoped3A_241 = arith.constant 0 : i32
          %run_scoped3A_242 = arith.constant 0 : i32
          "tpu.trace_start"() <{level = 10 : i32, message = "ep_run_kernel"}> : () -> ()
          "tpu.region"() ({
            %run_scoped3A_319 = tpu.sem_alloc : memref<!tpu.dma_semaphore, #tpu.memory_space<semaphore_mem>>
            %dma_start3A_320 = arith.constant 0 : i32
            %dma_start3A_321 = arith.constant 0 : i32
            %dma_start3A_322 = tpu.memref_slice %run_scoped3A_18[%rem3A_240, %dma_start3A_320, %dma_start3A_321] : memref<2x240x128xi32, #tpu.memory_space<vmem>> -> memref<1x240x128xi32, #tpu.memory_space<vmem>>
            %dma_start3A_323 = tpu.memref_squeeze %dma_start3A_322 : memref<1x240x128xi32, #tpu.memory_space<vmem>> -> memref<240x128xi32, #tpu.memory_space<vmem>>
            %dma_start3A_324 = arith.constant 0 : i32
            %dma_start3A_325 = arith.constant 0 : i32
            %dma_start3A_326 = arith.constant 0 : i32
            %dma_start3A_327 = tpu.memref_slice %run_scoped3A[%rem3A_238, %dma_start3A_324, %dma_start3A_325, %dma_start3A_326] : memref<2x1x1x240xi32, #tpu.memory_space<vmem>> -> memref<1x1x1x240xi32, #tpu.memory_space<vmem>>
            %dma_start3A_328 = tpu.memref_squeeze %dma_start3A_327 : memref<1x1x1x240xi32, #tpu.memory_space<vmem>> -> memref<1x1x240xi32, #tpu.memory_space<vmem>>
            %dma_start3A_329 = arith.constant 0 : i32
            %dma_start3A_330 = tpu.memref_slice %dma_start3A_328[%run_scoped3A_241, %run_scoped3A_242, %dma_start3A_329] : memref<1x1x240xi32, #tpu.memory_space<vmem>> -> memref<1x1x240xi32, #tpu.memory_space<vmem>>
            %dma_start3A_331 = tpu.memref_squeeze %dma_start3A_330 : memref<1x1x240xi32, #tpu.memory_space<vmem>> -> memref<240xi32, #tpu.memory_space<vmem>>
            %dma_start3A_332 = arith.constant 0 : i32
            %dma_start3A_333 = arith.constant 0 : i32
            %dma_start3A_334 = tpu.memref_slice %arg2[%dma_start3A_332, %dma_start3A_333] : memref<10000x128xi32, #tpu.memory_space<hbm>> -> memref<10000x128xi32, #tpu.memory_space<hbm>>
            tpu.enqueue_indirect_dma source(%dma_start3A_334 : memref<10000x128xi32, #tpu.memory_space<hbm>>) target(%dma_start3A_323 : memref<240x128xi32, #tpu.memory_space<vmem>>) offsets(%dma_start3A_331 : memref<240xi32, #tpu.memory_space<vmem>>) semaphore(%run_scoped3A_319 : memref<!tpu.dma_semaphore, #tpu.memory_space<semaphore_mem>>)
            %dma_wait3A = arith.constant 0 : i32
            %dma_wait3A_335 = arith.constant 0 : i32
            %dma_wait3A_336 = tpu.memref_slice %run_scoped3A_18[%rem3A_240, %dma_wait3A, %dma_wait3A_335] : memref<2x240x128xi32, #tpu.memory_space<vmem>> -> memref<1x240x128xi32, #tpu.memory_space<vmem>>
            %dma_wait3A_337 = tpu.memref_squeeze %dma_wait3A_336 : memref<1x240x128xi32, #tpu.memory_space<vmem>> -> memref<240x128xi32, #tpu.memory_space<vmem>>
            %dma_wait3A_338 = arith.constant 0 : i32
            %dma_wait3A_339 = arith.constant 0 : i32
            %dma_wait3A_340 = arith.constant 0 : i32
            %dma_wait3A_341 = tpu.memref_slice %run_scoped3A[%rem3A_238, %dma_wait3A_338, %dma_wait3A_339, %dma_wait3A_340] : memref<2x1x1x240xi32, #tpu.memory_space<vmem>> -> memref<1x1x1x240xi32, #tpu.memory_space<vmem>>
            %dma_wait3A_342 = tpu.memref_squeeze %dma_wait3A_341 : memref<1x1x1x240xi32, #tpu.memory_space<vmem>> -> memref<1x1x240xi32, #tpu.memory_space<vmem>>
            %dma_wait3A_343 = arith.constant 0 : i32
            %dma_wait3A_344 = tpu.memref_slice %dma_wait3A_342[%run_scoped3A_241, %run_scoped3A_242, %dma_wait3A_343] : memref<1x1x240xi32, #tpu.memory_space<vmem>> -> memref<1x1x240xi32, #tpu.memory_space<vmem>>
            %dma_wait3A_345 = tpu.memref_squeeze %dma_wait3A_344 : memref<1x1x240xi32, #tpu.memory_space<vmem>> -> memref<240xi32, #tpu.memory_space<vmem>>
            %dma_wait3A_346 = arith.constant 0 : i32
            %dma_wait3A_347 = arith.constant 0 : i32
            %dma_wait3A_348 = tpu.memref_slice %arg2[%dma_wait3A_346, %dma_wait3A_347] : memref<10000x128xi32, #tpu.memory_space<hbm>> -> memref<10000x128xi32, #tpu.memory_space<hbm>>
            tpu.wait_indirect_dma semaphore(%run_scoped3A_319 : memref<!tpu.dma_semaphore, #tpu.memory_space<semaphore_mem>>) src(%dma_wait3A_348 : memref<10000x128xi32, #tpu.memory_space<hbm>>) dst(%dma_wait3A_337 : memref<240x128xi32, #tpu.memory_space<vmem>>)
            tpu.yield
          }) : () -> ()
          "tpu.trace_stop"() : () -> ()
          %ne3A_243 = arith.cmpi ne, %add3A_159, %add3A_177 : i32
          %or3A_244 = arith.constant false
          %or3A_245 = arith.ori %or3A_244, %ne3A_243 : i1
          %or3A_246 = arith.constant false
          %or3A_247 = arith.ori %or3A_245, %or3A_246 : i1
          %or3A_248 = arith.constant false
          %or3A_249 = arith.ori %or3A_247, %or3A_248 : i1
          %or3A_250 = arith.ori %or3A_249, %eq3A_158 : i1
          %convert_element_type3A_251 = arith.extui %or3A_250 : i1 to i32
          %cond3A_252 = arith.constant 0 : i32
          %cond3A_253 = arith.cmpi ne, %convert_element_type3A_251, %cond3A_252 : i32
          scf.if %cond3A_253 {
          } else {
          }
          %and3A_254 = arith.constant false
          %and3A_255 = arith.andi %or3A_250, %and3A_254 : i1
          %ne3A_256 = arith.cmpi ne, %add3A_159, %add3A_177 : i32
          %or3A_257 = arith.constant false
          %or3A_258 = arith.ori %or3A_257, %ne3A_256 : i1
          %or3A_259 = arith.constant false
          %or3A_260 = arith.ori %or3A_258, %or3A_259 : i1
          %or3A_261 = arith.ori %or3A_260, %eq3A_158 : i1
          %convert_element_type3A_262 = arith.extui %or3A_261 : i1 to i32
          %cond3A_263 = arith.constant 0 : i32
          %cond3A_264 = arith.cmpi ne, %convert_element_type3A_262, %cond3A_263 : i32
          scf.if %cond3A_264 {
            "tpu.trace_start"() <{level = 10 : i32, message = "ep_copy_out"}> : () -> ()
            %rem3A_319 = arith.constant 2 : i32
            %rem3A_320 = arith.remui %while3A_149, %rem3A_319 : i32
            %mul3A_321 = arith.constant 240 : i32
            %mul3A_322 = arith.muli %mul3A_321, %add3A_159 : i32
            %dma_start3A_323 = arith.constant 0 : i32
            %dma_start3A_324 = arith.constant 0 : i32
            %dma_start3A_325 = tpu.memref_slice %run_scoped3A_18[%rem3A_320, %dma_start3A_323, %dma_start3A_324] : memref<2x240x128xi32, #tpu.memory_space<vmem>> -> memref<1x240x128xi32, #tpu.memory_space<vmem>>
            %dma_start3A_326 = tpu.memref_squeeze %dma_start3A_325 : memref<1x240x128xi32, #tpu.memory_space<vmem>> -> memref<240x128xi32, #tpu.memory_space<vmem>>
            %dma_start3A_327 = arith.constant 0 : i32
            %dma_start3A_328 = tpu.memref_slice %arg4[%mul3A_322, %dma_start3A_327] : memref<60000x128xi32, #tpu.memory_space<hbm>> -> memref<240x128xi32, #tpu.memory_space<hbm>>
            %dma_start3A_329 = tpu.memref_slice %run_scoped3A_19[%rem3A_320] : memref<2x!tpu.dma_semaphore, #tpu.memory_space<semaphore_mem>> -> memref<1x!tpu.dma_semaphore, #tpu.memory_space<semaphore_mem>>
            %dma_start3A_330 = tpu.memref_squeeze %dma_start3A_329 : memref<1x!tpu.dma_semaphore, #tpu.memory_space<semaphore_mem>> -> memref<!tpu.dma_semaphore, #tpu.memory_space<semaphore_mem>>
            %dma_start3A_331 = arith.constant 0 : i32
            %dma_start3A_332 = tpu.memref_slice %arg4[%mul3A_322, %dma_start3A_331] : memref<60000x128xi32, #tpu.memory_space<hbm>> -> memref<240x128xi32, #tpu.memory_space<hbm>>
            %dma_start3A_333 = arith.constant 0 : i32
            %dma_start3A_334 = arith.constant 0 : i32
            %dma_start3A_335 = tpu.memref_slice %run_scoped3A_18[%rem3A_320, %dma_start3A_333, %dma_start3A_334] : memref<2x240x128xi32, #tpu.memory_space<vmem>> -> memref<1x240x128xi32, #tpu.memory_space<vmem>>
            %dma_start3A_336 = tpu.memref_squeeze %dma_start3A_335 : memref<1x240x128xi32, #tpu.memory_space<vmem>> -> memref<240x128xi32, #tpu.memory_space<vmem>>
            tpu.enqueue_dma source(%dma_start3A_336 : memref<240x128xi32, #tpu.memory_space<vmem>>) target(%dma_start3A_332 : memref<240x128xi32, #tpu.memory_space<hbm>>) target_semaphore(%dma_start3A_330 : memref<!tpu.dma_semaphore, #tpu.memory_space<semaphore_mem>>)
            "tpu.trace_stop"() : () -> ()
          } else {
          }
          %and3A_265 = arith.constant true
          %and3A_266 = arith.andi %or3A_261, %and3A_265 : i1
          %add3A_267 = arith.constant 1 : i32
          %add3A_268 = arith.addi %while3A_149, %add3A_267 : i32
          %select_n3A_269 = arith.select %and3A_266, %add3A_268, %while3A_149 : i32
          %ne3A_270 = arith.cmpi ne, %add3A_159, %add3A_169 : i32
          %or3A_271 = arith.constant false
          %or3A_272 = arith.ori %or3A_271, %ne3A_270 : i1
          %or3A_273 = arith.constant false
          %or3A_274 = arith.ori %or3A_272, %or3A_273 : i1
          %or3A_275 = arith.constant false
          %or3A_276 = arith.ori %or3A_274, %or3A_275 : i1
          %not3A_277 = arith.constant true
          %not3A_278 = arith.xori %eq3A_155, %not3A_277 : i1
          %and3A_279 = arith.andi %or3A_276, %not3A_278 : i1
          %convert_element_type3A_280 = arith.extui %and3A_279 : i1 to i32
          %cond3A_281 = arith.constant 0 : i32
          %cond3A_282 = arith.cmpi ne, %convert_element_type3A_280, %cond3A_281 : i32
          scf.if %cond3A_282 {
          } else {
          }
          %and3A_283 = arith.constant false
          %and3A_284 = arith.andi %and3A_279, %and3A_283 : i1
          %ne3A_285 = arith.cmpi ne, %add3A_159, %add3A_169 : i32
          %or3A_286 = arith.constant false
          %or3A_287 = arith.ori %or3A_286, %ne3A_285 : i1
          %or3A_288 = arith.constant false
          %or3A_289 = arith.ori %or3A_287, %or3A_288 : i1
          %not3A_290 = arith.constant true
          %not3A_291 = arith.xori %eq3A_155, %not3A_290 : i1
          %and3A_292 = arith.andi %or3A_289, %not3A_291 : i1
          %convert_element_type3A_293 = arith.extui %and3A_292 : i1 to i32
          %cond3A_294 = arith.constant 0 : i32
          %cond3A_295 = arith.cmpi ne, %convert_element_type3A_293, %cond3A_294 : i32
          scf.if %cond3A_295 {
            "tpu.trace_start"() <{level = 10 : i32, message = "ep_wait_out"}> : () -> ()
            %rem3A_319 = arith.constant 2 : i32
            %rem3A_320 = arith.remui %while3A_150, %rem3A_319 : i32
            %mul3A_321 = arith.constant 240 : i32
            %mul3A_322 = arith.muli %mul3A_321, %add3A_169 : i32
            %dma_wait3A = arith.constant 0 : i32
            %dma_wait3A_323 = arith.constant 0 : i32
            %dma_wait3A_324 = tpu.memref_slice %run_scoped3A_18[%rem3A_320, %dma_wait3A, %dma_wait3A_323] : memref<2x240x128xi32, #tpu.memory_space<vmem>> -> memref<1x240x128xi32, #tpu.memory_space<vmem>>
            %dma_wait3A_325 = tpu.memref_squeeze %dma_wait3A_324 : memref<1x240x128xi32, #tpu.memory_space<vmem>> -> memref<240x128xi32, #tpu.memory_space<vmem>>
            %dma_wait3A_326 = arith.constant 0 : i32
            %dma_wait3A_327 = tpu.memref_slice %arg4[%mul3A_322, %dma_wait3A_326] : memref<60000x128xi32, #tpu.memory_space<hbm>> -> memref<240x128xi32, #tpu.memory_space<hbm>>
            %dma_wait3A_328 = tpu.memref_slice %run_scoped3A_19[%rem3A_320] : memref<2x!tpu.dma_semaphore, #tpu.memory_space<semaphore_mem>> -> memref<1x!tpu.dma_semaphore, #tpu.memory_space<semaphore_mem>>
            %dma_wait3A_329 = tpu.memref_squeeze %dma_wait3A_328 : memref<1x!tpu.dma_semaphore, #tpu.memory_space<semaphore_mem>> -> memref<!tpu.dma_semaphore, #tpu.memory_space<semaphore_mem>>
            %dma_wait3A_330 = arith.constant 0 : i32
            %dma_wait3A_331 = tpu.memref_slice %arg4[%mul3A_322, %dma_wait3A_330] : memref<60000x128xi32, #tpu.memory_space<hbm>> -> memref<240x128xi32, #tpu.memory_space<hbm>>
            %dma_wait3A_332 = arith.constant 0 : i32
            %dma_wait3A_333 = arith.constant 0 : i32
            %dma_wait3A_334 = tpu.memref_slice %run_scoped3A_18[%rem3A_320, %dma_wait3A_332, %dma_wait3A_333] : memref<2x240x128xi32, #tpu.memory_space<vmem>> -> memref<1x240x128xi32, #tpu.memory_space<vmem>>
            %dma_wait3A_335 = tpu.memref_squeeze %dma_wait3A_334 : memref<1x240x128xi32, #tpu.memory_space<vmem>> -> memref<240x128xi32, #tpu.memory_space<vmem>>
            tpu.wait_dma2 semaphore(%dma_wait3A_329 : memref<!tpu.dma_semaphore, #tpu.memory_space<semaphore_mem>>) src(%dma_wait3A_335 : memref<240x128xi32, #tpu.memory_space<vmem>>) dst(%dma_wait3A_331 : memref<240x128xi32, #tpu.memory_space<hbm>>)
            "tpu.trace_stop"() : () -> ()
          } else {
          }
          %and3A_296 = arith.constant true
          %and3A_297 = arith.andi %and3A_292, %and3A_296 : i1
          %add3A_298 = arith.constant 1 : i32
          %add3A_299 = arith.addi %while3A_150, %add3A_298 : i32
          %select_n3A_300 = arith.select %and3A_297, %add3A_299, %while3A_150 : i32
          %ne3A_301 = arith.cmpi ne, %add3A_159, %add3A_177 : i32
          %or3A_302 = arith.constant false
          %or3A_303 = arith.ori %or3A_302, %ne3A_301 : i1
          %or3A_304 = arith.constant false
          %or3A_305 = arith.ori %or3A_303, %or3A_304 : i1
          %or3A_306 = arith.constant false
          %or3A_307 = arith.ori %or3A_305, %or3A_306 : i1
          %or3A_308 = arith.ori %or3A_307, %eq3A_158 : i1
          %add3A_309 = arith.constant 1 : i32
          %add3A_310 = arith.addi %while3A_148, %add3A_309 : i32
          %select_n3A_311 = arith.select %or3A_308, %add3A_310, %while3A_148 : i32
          %add3A_312 = arith.constant 1 : i32
          %add3A_313 = arith.addi %while3A_151, %add3A_312 : i32
          %select_n3A_314 = arith.constant true
          %select_n3A_315 = arith.select %select_n3A_314, %add3A_313, %while3A_151 : i32
          %eq3A_316 = arith.cmpi eq, %select_n3A_315, %select_n3A : i32
          %select_n3A_317 = arith.constant 0 : i32
          %select_n3A_318 = arith.select %eq3A_316, %select_n3A_317, %select_n3A_315 : i32
          scf.yield %select_n3A_203, %select_n3A_311, %select_n3A_269, %select_n3A_300, %select_n3A_318 : i32, i32, i32, i32, i32
        }
        %sub3A_95 = arith.constant 1 : i32
        %sub3A_96 = arith.subi %while3A_94#4, %sub3A_95 : i32
        %select_n3A_97 = arith.constant true
        %select_n3A_98 = arith.select %select_n3A_97, %sub3A_96, %while3A_94#4 : i32
        %eq3A_99 = arith.constant -1 : i32
        %eq3A_100 = arith.cmpi eq, %select_n3A_98, %eq3A_99 : i32
        %sub3A_101 = arith.constant 1 : i32
        %sub3A_102 = arith.subi %select_n3A, %sub3A_101 : i32
        %select_n3A_103 = arith.select %eq3A_100, %sub3A_102, %select_n3A_98 : i32
        %sub3A_104 = arith.constant 1 : i32
        %sub3A_105 = arith.subi %mul3A_16, %sub3A_104 : i32
        %mul3A_106 = arith.constant 1 : i32
        %mul3A_107 = arith.muli %mul3A_106, %select_n3A : i32
        %eq3A_108 = arith.constant 0 : i32
        %eq3A_109 = arith.cmpi eq, %sub3A_105, %eq3A_108 : i32
        %sub3A_110 = arith.constant 1 : i32
        %sub3A_111 = arith.subi %mul3A_107, %sub3A_110 : i32
        %eq3A_112 = arith.cmpi eq, %sub3A_105, %sub3A_111 : i32
        %add3A_113 = arith.addi %select_n3A_103, %select_n3A_14 : i32
        %sub3A_114 = arith.constant 1 : i32
        %sub3A_115 = arith.subi %select_n3A_103, %sub3A_114 : i32
        %select_n3A_116 = arith.constant true
        %select_n3A_117 = arith.select %select_n3A_116, %sub3A_115, %select_n3A_103 : i32
        %eq3A_118 = arith.constant -1 : i32
        %eq3A_119 = arith.cmpi eq, %select_n3A_117, %eq3A_118 : i32
        %sub3A_120 = arith.constant 1 : i32
        %sub3A_121 = arith.subi %select_n3A, %sub3A_120 : i32
        %select_n3A_122 = arith.select %eq3A_119, %sub3A_121, %select_n3A_117 : i32
        %add3A_123 = arith.addi %select_n3A_122, %select_n3A_14 : i32
        %add3A_124 = arith.constant 1 : i32
        %add3A_125 = arith.addi %select_n3A_103, %add3A_124 : i32
        %select_n3A_126 = arith.constant true
        %select_n3A_127 = arith.select %select_n3A_126, %add3A_125, %select_n3A_103 : i32
        %eq3A_128 = arith.cmpi eq, %select_n3A_127, %select_n3A : i32
        %select_n3A_129 = arith.constant 0 : i32
        %select_n3A_130 = arith.select %eq3A_128, %select_n3A_129, %select_n3A_127 : i32
        %add3A_131 = arith.addi %select_n3A_130, %select_n3A_14 : i32
        %add3A_132 = arith.constant 1 : i32
        %add3A_133 = arith.addi %select_n3A_130, %add3A_132 : i32
        %select_n3A_134 = arith.constant true
        %select_n3A_135 = arith.select %select_n3A_134, %add3A_133, %select_n3A_130 : i32
        %eq3A_136 = arith.cmpi eq, %select_n3A_135, %select_n3A : i32
        %select_n3A_137 = arith.constant 0 : i32
        %select_n3A_138 = arith.select %eq3A_136, %select_n3A_137, %select_n3A_135 : i32
        %add3A_139 = arith.addi %select_n3A_138, %select_n3A_14 : i32
        %convert_element_type3A_140 = arith.extui %eq3A_112 : i1 to i32
        %cond3A_141 = arith.constant 0 : i32
        %cond3A_142 = arith.cmpi ne, %convert_element_type3A_140, %cond3A_141 : i32
        scf.if %cond3A_142 {
        } else {
        }
        %convert_element_type3A_143 = arith.extui %eq3A_112 : i1 to i32
        %cond3A_144 = arith.constant 0 : i32
        %cond3A_145 = arith.cmpi ne, %convert_element_type3A_143, %cond3A_144 : i32
        scf.if %cond3A_145 {
          "tpu.trace_start"() <{level = 10 : i32, message = "ep_finalize"}> : () -> ()
          %rem3A_146 = arith.constant 2 : i32
          %rem3A_147 = arith.remui %while3A_94#3, %rem3A_146 : i32
          %mul3A_148 = arith.constant 240 : i32
          %mul3A_149 = arith.muli %mul3A_148, %add3A_113 : i32
          %dma_wait3A = arith.constant 0 : i32
          %dma_wait3A_150 = arith.constant 0 : i32
          %dma_wait3A_151 = tpu.memref_slice %run_scoped3A_18[%rem3A_147, %dma_wait3A, %dma_wait3A_150] : memref<2x240x128xi32, #tpu.memory_space<vmem>> -> memref<1x240x128xi32, #tpu.memory_space<vmem>>
          %dma_wait3A_152 = tpu.memref_squeeze %dma_wait3A_151 : memref<1x240x128xi32, #tpu.memory_space<vmem>> -> memref<240x128xi32, #tpu.memory_space<vmem>>
          %dma_wait3A_153 = arith.constant 0 : i32
          %dma_wait3A_154 = tpu.memref_slice %arg4[%mul3A_149, %dma_wait3A_153] : memref<60000x128xi32, #tpu.memory_space<hbm>> -> memref<240x128xi32, #tpu.memory_space<hbm>>
          %dma_wait3A_155 = tpu.memref_slice %run_scoped3A_19[%rem3A_147] : memref<2x!tpu.dma_semaphore, #tpu.memory_space<semaphore_mem>> -> memref<1x!tpu.dma_semaphore, #tpu.memory_space<semaphore_mem>>
          %dma_wait3A_156 = tpu.memref_squeeze %dma_wait3A_155 : memref<1x!tpu.dma_semaphore, #tpu.memory_space<semaphore_mem>> -> memref<!tpu.dma_semaphore, #tpu.memory_space<semaphore_mem>>
          %dma_wait3A_157 = arith.constant 0 : i32
          %dma_wait3A_158 = tpu.memref_slice %arg4[%mul3A_149, %dma_wait3A_157] : memref<60000x128xi32, #tpu.memory_space<hbm>> -> memref<240x128xi32, #tpu.memory_space<hbm>>
          %dma_wait3A_159 = arith.constant 0 : i32
          %dma_wait3A_160 = arith.constant 0 : i32
          %dma_wait3A_161 = tpu.memref_slice %run_scoped3A_18[%rem3A_147, %dma_wait3A_159, %dma_wait3A_160] : memref<2x240x128xi32, #tpu.memory_space<vmem>> -> memref<1x240x128xi32, #tpu.memory_space<vmem>>
          %dma_wait3A_162 = tpu.memref_squeeze %dma_wait3A_161 : memref<1x240x128xi32, #tpu.memory_space<vmem>> -> memref<240x128xi32, #tpu.memory_space<vmem>>
          tpu.wait_dma2 semaphore(%dma_wait3A_156 : memref<!tpu.dma_semaphore, #tpu.memory_space<semaphore_mem>>) src(%dma_wait3A_162 : memref<240x128xi32, #tpu.memory_space<vmem>>) dst(%dma_wait3A_158 : memref<240x128xi32, #tpu.memory_space<hbm>>)
          "tpu.trace_stop"() : () -> ()
        } else {
        }
      } else {
      }
      tpu.yield
    }) : () -> ()
    return
  }
}

module attributes {stable_mosaic.version = 14 : i64} {
  func.func @_agg2_body(%arg0: i32, %arg1: memref<200x10000xf8E4M3FN, #tpu.memory_space<vmem>>, %arg2: memref<10000x256xf8E4M3FN, #tpu.memory_space<vmem>>, %arg3: memref<1x256xf32, #tpu.memory_space<vmem>>, %arg4: memref<200x128xi32, #tpu.memory_space<vmem>>) attributes {dimension_semantics = [#tpu.dimension_semantics<arbitrary>], iteration_bounds = array<i64: 50>, scalar_prefetch = 0 : i64, scratch_operands = 0 : i64, tpu.core_type = #tpu.core_type<tc>, window_params = [{transform_indices = @transform_0, window_bounds = array<i64: 200, 10000>}, {pipeline_mode = #tpu.pipeline_mode<synchronous>, transform_indices = @transform_1, window_bounds = array<i64: 10000, 256>}, {pipeline_mode = #tpu.pipeline_mode<synchronous>, transform_indices = @transform_2, window_bounds = array<i64: 1, 256>}, {transform_indices = @transform_3, window_bounds = array<i64: 200, 128>}]} {
    %get3A = arith.constant 0 : index
    %get3A_0 = arith.constant 0 : index
    %get3A_1 = vector.load %arg1[%get3A, %get3A_0] : memref<200x10000xf8E4M3FN, #tpu.memory_space<vmem>>, vector<200x10000xf8E4M3FN>
    %get3A_2 = arith.constant 0 : index
    %get3A_3 = arith.constant 0 : index
    %get3A_4 = vector.load %arg2[%get3A_2, %get3A_3] : memref<10000x256xf8E4M3FN, #tpu.memory_space<vmem>>, vector<10000x256xf8E4M3FN>
    %dot_general3A = arith.constant dense<0.000000e+00> : vector<200x256xf32>
    %dot_general3A_5 = tpu.matmul %get3A_1, %get3A_4, %dot_general3A {dimension_numbers = #tpu.dot_dimension_numbers<[1], [0], [0], [1], [0, 0, 1, 1], [], []>, transpose_lhs_hint = false} : vector<200x10000xf8E4M3FN>, vector<10000x256xf8E4M3FN>, vector<200x256xf32> -> vector<200x256xf32>
    %mul3A = arith.constant 1.600000e+01 : f32
    %mul3A_6 = vector.broadcast %mul3A : f32 to vector<200x256xf32>
    %mul3A_7 = arith.mulf %dot_general3A_5, %mul3A_6 : vector<200x256xf32>
    %get3A_8 = arith.constant 0 : index
    %get3A_9 = arith.constant 0 : index
    %get3A_10 = vector.load %arg3[%get3A_8, %get3A_9] : memref<1x256xf32, #tpu.memory_space<vmem>>, vector<1x256xf32>
    %add3A = vector.broadcast %get3A_10 : vector<1x256xf32> to vector<200x256xf32>
    %add3A_11 = arith.addf %mul3A_7, %add3A : vector<200x256xf32>
    %gt3A = arith.constant 0.000000e+00 : f32
    %gt3A_12 = vector.broadcast %gt3A : f32 to vector<200x256xf32>
    %gt3A_13 = arith.cmpf ogt, %add3A_11, %gt3A_12 : vector<200x256xf32>
    %min3A = arith.constant 0.000000e+00 : f32
    %min3A_14 = vector.broadcast %min3A : f32 to vector<200x256xf32>
    %min3A_15 = arith.minimumf %add3A_11, %min3A_14 : vector<200x256xf32>
    %exp3A = math.exp %min3A_15 : vector<200x256xf32>
    %sub3A = arith.constant 1.000000e+00 : f32
    %sub3A_16 = vector.broadcast %sub3A : f32 to vector<200x256xf32>
    %sub3A_17 = arith.subf %exp3A, %sub3A_16 : vector<200x256xf32>
    %select_n3A = arith.select %gt3A_13, %add3A_11, %sub3A_17 : vector<200x256xi1>, vector<200x256xf32>
    %gt3A_18 = arith.constant 0.000000e+00 : f32
    %gt3A_19 = vector.broadcast %gt3A_18 : f32 to vector<200x256xf32>
    %gt3A_20 = arith.cmpf ogt, %select_n3A, %gt3A_19 : vector<200x256xf32>
    %min3A_21 = arith.constant 0.000000e+00 : f32
    %min3A_22 = vector.broadcast %min3A_21 : f32 to vector<200x256xf32>
    %min3A_23 = arith.minimumf %select_n3A, %min3A_22 : vector<200x256xf32>
    %exp3A_24 = math.exp %min3A_23 : vector<200x256xf32>
    %sub3A_25 = arith.constant 1.000000e+00 : f32
    %sub3A_26 = vector.broadcast %sub3A_25 : f32 to vector<200x256xf32>
    %sub3A_27 = arith.subf %exp3A_24, %sub3A_26 : vector<200x256xf32>
    %select_n3A_28 = arith.select %gt3A_20, %select_n3A, %sub3A_27 : vector<200x256xi1>, vector<200x256xf32>
    %mul3A_29 = arith.mulf %select_n3A_28, %select_n3A_28 : vector<200x256xf32>
    %reduce_sum3A = arith.constant dense<0.000000e+00> : vector<200xf32>
    %reduce_sum3A_30 = vector.multi_reduction <add>, %mul3A_29, %reduce_sum3A [1] : vector<200x256xf32> to vector<200xf32>
    %broadcast_in_dim3A = vector.shape_cast %reduce_sum3A_30 : vector<200xf32> to vector<200x1xf32>
    %sqrt3A = math.sqrt %broadcast_in_dim3A : vector<200x1xf32>
    %max3A = arith.constant 9.99999993E-9 : f32
    %max3A_31 = vector.broadcast %max3A : f32 to vector<200x1xf32>
    %max3A_32 = arith.maximumf %sqrt3A, %max3A_31 : vector<200x1xf32>
    %div3A = vector.broadcast %max3A_32 : vector<200x1xf32> to vector<200x256xf32>
    %div3A_33 = arith.divf %select_n3A_28, %div3A : vector<200x256xf32>
    %slice3A = vector.extract_strided_slice %div3A_33 {offsets = [0, 0], sizes = [200, 128], strides = [1, 1]} : vector<200x256xf32> to vector<200x128xf32>
    %convert_element_type3A = arith.truncf %slice3A : vector<200x128xf32> to vector<200x128xbf16>
    %convert_element_type3A_34 = arith.extf %convert_element_type3A : vector<200x128xbf16> to vector<200x128xf32>
    %bitcast_convert_type3A = tpu.bitcast %convert_element_type3A_34 : vector<200x128xf32> -> vector<200x128xi32>
    %slice3A_35 = vector.extract_strided_slice %div3A_33 {offsets = [0, 128], sizes = [200, 128], strides = [1, 1]} : vector<200x256xf32> to vector<200x128xf32>
    %convert_element_type3A_36 = arith.truncf %slice3A_35 : vector<200x128xf32> to vector<200x128xbf16>
    %convert_element_type3A_37 = arith.extf %convert_element_type3A_36 : vector<200x128xbf16> to vector<200x128xf32>
    %bitcast_convert_type3A_38 = tpu.bitcast %convert_element_type3A_37 : vector<200x128xf32> -> vector<200x128xi32>
    %shift_right_logical3A = arith.constant 16 : i32
    %shift_right_logical3A_39 = vector.broadcast %shift_right_logical3A : i32 to vector<200x128xi32>
    %shift_right_logical3A_40 = arith.shrui %bitcast_convert_type3A, %shift_right_logical3A_39 : vector<200x128xi32>
    %and3A = arith.constant -65536 : i32
    %and3A_41 = vector.broadcast %and3A : i32 to vector<200x128xi32>
    %and3A_42 = arith.andi %bitcast_convert_type3A_38, %and3A_41 : vector<200x128xi32>
    %or3A = arith.ori %shift_right_logical3A_40, %and3A_42 : vector<200x128xi32>
    %swap3A = arith.constant 0 : index
    %swap3A_43 = arith.constant 0 : index
    %swap3A_44 = vector.load %arg4[%swap3A, %swap3A_43] : memref<200x128xi32, #tpu.memory_space<vmem>>, vector<200x128xi32>
    tpu.vector_store %arg4[%swap3A, %swap3A_43], %or3A {strides = array<i32>} : memref<200x128xi32, #tpu.memory_space<vmem>>, vector<200x128xi32>,
    return
  }
  func.func @transform_0(%arg0: i32) -> (i32, i32) {
    %c0_i32 = arith.constant 0 : i32
    %c0_i32_0 = arith.constant 0 : i32
    return %arg0, %c0_i32 : i32, i32
  }
  func.func @transform_1(%arg0: i32) -> (i32, i32) {
    %c0_i32 = arith.constant 0 : i32
    %c0_i32_0 = arith.constant 0 : i32
    %c0_i32_1 = arith.constant 0 : i32
    return %c0_i32, %c0_i32_0 : i32, i32
  }
  func.func @transform_2(%arg0: i32) -> (i32, i32) {
    %c0_i32 = arith.constant 0 : i32
    %c0_i32_0 = arith.constant 0 : i32
    %c0_i32_1 = arith.constant 0 : i32
    return %c0_i32, %c0_i32_0 : i32, i32
  }
  func.func @transform_3(%arg0: i32) -> (i32, i32) {
    %c0_i32 = arith.constant 0 : i32
    %c0_i32_0 = arith.constant 0 : i32
    return %arg0, %c0_i32 : i32, i32
  }
}

module attributes {stable_mosaic.version = 14 : i64} {
  func.func @_agg1_body(%arg0: i32, %arg1: memref<200x10000xf32, #tpu.memory_space<vmem>>, %arg2: memref<10000x256xf32, #tpu.memory_space<vmem>>, %arg3: memref<256x256xbf16, #tpu.memory_space<vmem>>, %arg4: memref<1x256xf32, #tpu.memory_space<vmem>>, %arg5: memref<256x256xbf16, #tpu.memory_space<vmem>>, %arg6: memref<200x256xf8E4M3FN, #tpu.memory_space<vmem>>, %arg7: memref<200x10000xf8E4M3FN, #tpu.memory_space<vmem>>, %arg8: memref<10000x256xbf16, #tpu.memory_space<vmem>>) attributes {dimension_semantics = [#tpu.dimension_semantics<arbitrary>], iteration_bounds = array<i64: 50>, scalar_prefetch = 0 : i64, scratch_operands = 1 : i64, tpu.core_type = #tpu.core_type<tc>, window_params = [{transform_indices = @transform_0, window_bounds = array<i64: 200, 10000>}, {pipeline_mode = #tpu.pipeline_mode<synchronous>, transform_indices = @transform_1, window_bounds = array<i64: 10000, 256>}, {pipeline_mode = #tpu.pipeline_mode<synchronous>, transform_indices = @transform_2, window_bounds = array<i64: 256, 256>}, {pipeline_mode = #tpu.pipeline_mode<synchronous>, transform_indices = @transform_3, window_bounds = array<i64: 1, 256>}, {pipeline_mode = #tpu.pipeline_mode<synchronous>, transform_indices = @transform_4, window_bounds = array<i64: 256, 256>}, {transform_indices = @transform_5, window_bounds = array<i64: 200, 256>}, {transform_indices = @transform_6, window_bounds = array<i64: 200, 10000>}]} {
    %eq3A = arith.constant 0 : i32
    %eq3A_0 = arith.cmpi eq, %arg0, %eq3A : i32
    %convert_element_type3A = arith.extui %eq3A_0 : i1 to i32
    %cond3A = arith.constant 0 : i32
    %cond3A_1 = arith.cmpi ne, %convert_element_type3A, %cond3A : i32
    scf.if %cond3A_1 {
      %get3A_34 = arith.constant 0 : index
      %get3A_35 = arith.constant 0 : index
      %get3A_36 = vector.load %arg2[%get3A_34, %get3A_35] : memref<10000x256xf32, #tpu.memory_space<vmem>>, vector<10000x256xf32>
      %convert_element_type3A_37 = arith.truncf %get3A_36 : vector<10000x256xf32> to vector<10000x256xbf16>
      %get3A_38 = arith.constant 0 : index
      %get3A_39 = arith.constant 0 : index
      %get3A_40 = vector.load %arg3[%get3A_38, %get3A_39] : memref<256x256xbf16, #tpu.memory_space<vmem>>, vector<256x256xbf16>
      %dot_general3A_41 = arith.constant dense<0.000000e+00> : vector<10000x256xf32>
      %dot_general3A_42 = tpu.matmul %convert_element_type3A_37, %get3A_40, %dot_general3A_41 {dimension_numbers = #tpu.dot_dimension_numbers<[1], [0], [0], [1], [0, 0, 1, 1], [], []>, transpose_lhs_hint = false} : vector<10000x256xbf16>, vector<256x256xbf16>, vector<10000x256xf32> -> vector<10000x256xf32>
      %convert_element_type3A_43 = arith.truncf %dot_general3A_42 : vector<10000x256xf32> to vector<10000x256xbf16>
      %swap3A_44 = arith.constant 0 : index
      %swap3A_45 = arith.constant 0 : index
      %swap3A_46 = vector.load %arg8[%swap3A_44, %swap3A_45] : memref<10000x256xbf16, #tpu.memory_space<vmem>>, vector<10000x256xbf16>
      tpu.vector_store %arg8[%swap3A_44, %swap3A_45], %convert_element_type3A_43 {strides = array<i32>} : memref<10000x256xbf16, #tpu.memory_space<vmem>>, vector<10000x256xbf16>,
    } else {
    }
    %get3A = arith.constant 0 : index
    %get3A_2 = arith.constant 0 : index
    %get3A_3 = vector.load %arg1[%get3A, %get3A_2] : memref<200x10000xf32, #tpu.memory_space<vmem>>, vector<200x10000xf32>
    %convert_element_type3A_4 = arith.truncf %get3A_3 : vector<200x10000xf32> to vector<200x10000xf8E4M3FN>
    %swap3A = arith.constant 0 : index
    %swap3A_5 = arith.constant 0 : index
    %swap3A_6 = vector.load %arg7[%swap3A, %swap3A_5] : memref<200x10000xf8E4M3FN, #tpu.memory_space<vmem>>, vector<200x10000xf8E4M3FN>
    tpu.vector_store %arg7[%swap3A, %swap3A_5], %convert_element_type3A_4 {strides = array<i32>} : memref<200x10000xf8E4M3FN, #tpu.memory_space<vmem>>, vector<200x10000xf8E4M3FN>,
    %convert_element_type3A_7 = arith.truncf %get3A_3 : vector<200x10000xf32> to vector<200x10000xbf16>
    %get3A_8 = arith.constant 0 : index
    %get3A_9 = arith.constant 0 : index
    %get3A_10 = vector.load %arg8[%get3A_8, %get3A_9] : memref<10000x256xbf16, #tpu.memory_space<vmem>>, vector<10000x256xbf16>
    %dot_general3A = arith.constant dense<0.000000e+00> : vector<200x256xf32>
    %dot_general3A_11 = tpu.matmul %convert_element_type3A_7, %get3A_10, %dot_general3A {dimension_numbers = #tpu.dot_dimension_numbers<[1], [0], [0], [1], [0, 0, 1, 1], [], []>, transpose_lhs_hint = false} : vector<200x10000xbf16>, vector<10000x256xbf16>, vector<200x256xf32> -> vector<200x256xf32>
    %get3A_12 = arith.constant 0 : index
    %get3A_13 = arith.constant 0 : index
    %get3A_14 = vector.load %arg4[%get3A_12, %get3A_13] : memref<1x256xf32, #tpu.memory_space<vmem>>, vector<1x256xf32>
    %add3A = vector.broadcast %get3A_14 : vector<1x256xf32> to vector<200x256xf32>
    %add3A_15 = arith.addf %dot_general3A_11, %add3A : vector<200x256xf32>
    %gt3A = arith.constant 0.000000e+00 : f32
    %gt3A_16 = vector.broadcast %gt3A : f32 to vector<200x256xf32>
    %gt3A_17 = arith.cmpf ogt, %add3A_15, %gt3A_16 : vector<200x256xf32>
    %min3A = arith.constant 0.000000e+00 : f32
    %min3A_18 = vector.broadcast %min3A : f32 to vector<200x256xf32>
    %min3A_19 = arith.minimumf %add3A_15, %min3A_18 : vector<200x256xf32>
    %exp3A = math.exp %min3A_19 : vector<200x256xf32>
    %sub3A = arith.constant 1.000000e+00 : f32
    %sub3A_20 = vector.broadcast %sub3A : f32 to vector<200x256xf32>
    %sub3A_21 = arith.subf %exp3A, %sub3A_20 : vector<200x256xf32>
    %select_n3A = arith.select %gt3A_17, %add3A_15, %sub3A_21 : vector<200x256xi1>, vector<200x256xf32>
    %convert_element_type3A_22 = arith.truncf %select_n3A : vector<200x256xf32> to vector<200x256xbf16>
    %get3A_23 = arith.constant 0 : index
    %get3A_24 = arith.constant 0 : index
    %get3A_25 = vector.load %arg5[%get3A_23, %get3A_24] : memref<256x256xbf16, #tpu.memory_space<vmem>>, vector<256x256xbf16>
    %dot_general3A_26 = arith.constant dense<0.000000e+00> : vector<200x256xf32>
    %dot_general3A_27 = tpu.matmul %convert_element_type3A_22, %get3A_25, %dot_general3A_26 {dimension_numbers = #tpu.dot_dimension_numbers<[1], [0], [0], [1], [0, 0, 1, 1], [], []>, transpose_lhs_hint = false} : vector<200x256xbf16>, vector<256x256xbf16>, vector<200x256xf32> -> vector<200x256xf32>
    %mul3A = arith.constant 6.250000e-02 : f32
    %mul3A_28 = vector.broadcast %mul3A : f32 to vector<200x256xf32>
    %mul3A_29 = arith.mulf %dot_general3A_27, %mul3A_28 : vector<200x256xf32>
    %convert_element_type3A_30 = arith.truncf %mul3A_29 : vector<200x256xf32> to vector<200x256xf8E4M3FN>
    %swap3A_31 = arith.constant 0 : index
    %swap3A_32 = arith.constant 0 : index
    %swap3A_33 = vector.load %arg6[%swap3A_31, %swap3A_32] : memref<200x256xf8E4M3FN, #tpu.memory_space<vmem>>, vector<200x256xf8E4M3FN>
    tpu.vector_store %arg6[%swap3A_31, %swap3A_32], %convert_element_type3A_30 {strides = array<i32>} : memref<200x256xf8E4M3FN, #tpu.memory_space<vmem>>, vector<200x256xf8E4M3FN>,
    return
  }
  func.func @transform_0(%arg0: i32) -> (i32, i32) {
    %c0_i32 = arith.constant 0 : i32
    %c0_i32_0 = arith.constant 0 : i32
    return %arg0, %c0_i32 : i32, i32
  }
  func.func @transform_1(%arg0: i32) -> (i32, i32) {
    %c0_i32 = arith.constant 0 : i32
    %c0_i32_0 = arith.constant 0 : i32
    %c0_i32_1 = arith.constant 0 : i32
    return %c0_i32, %c0_i32_0 : i32, i32
  }
  func.func @transform_2(%arg0: i32) -> (i32, i32) {
    %c0_i32 = arith.constant 0 : i32
    %c0_i32_0 = arith.constant 0 : i32
    %c0_i32_1 = arith.constant 0 : i32
    return %c0_i32, %c0_i32_0 : i32, i32
  }
  func.func @transform_3(%arg0: i32) -> (i32, i32) {
    %c0_i32 = arith.constant 0 : i32
    %c0_i32_0 = arith.constant 0 : i32
    %c0_i32_1 = arith.constant 0 : i32
    return %c0_i32, %c0_i32_0 : i32, i32
  }
  func.func @transform_4(%arg0: i32) -> (i32, i32) {
    %c0_i32 = arith.constant 0 : i32
    %c0_i32_0 = arith.constant 0 : i32
    %c0_i32_1 = arith.constant 0 : i32
    return %c0_i32, %c0_i32_0 : i32, i32
  }
  func.func @transform_5(%arg0: i32) -> (i32, i32) {
    %c0_i32 = arith.constant 0 : i32
    %c0_i32_0 = arith.constant 0 : i32
    return %arg0, %c0_i32 : i32, i32
  }
  func.func @transform_6(%arg0: i32) -> (i32, i32) {
    %c0_i32 = arith.constant 0 : i32
    %c0_i32_0 = arith.constant 0 : i32
    return %arg0, %c0_i32 : i32, i32
  }
}

module attributes {stable_mosaic.version = 14 : i64} {
  func.func @_loss_body(%arg0: i32, %arg1: memref<1000x128xi32, #tpu.memory_space<vmem>>, %arg2: memref<6x1000x128xi32, #tpu.memory_space<vmem>>, %arg3: memref<1x1xf32, #tpu.memory_space<smem>>) attributes {dimension_semantics = [#tpu.dimension_semantics<arbitrary>], iteration_bounds = array<i64: 10>, scalar_prefetch = 0 : i64, scratch_operands = 0 : i64, tpu.core_type = #tpu.core_type<tc>, window_params = [{transform_indices = @transform_0, window_bounds = array<i64: 1000, 128>}, {transform_indices = @transform_1, window_bounds = array<i64: 6, 1000, 128>}, {transform_indices = @transform_2, window_bounds = array<i64: 1, 1>}]} {
    %get3A = arith.constant 0 : index
    %get3A_0 = arith.constant 0 : index
    %get3A_1 = vector.load %arg1[%get3A, %get3A_0] : memref<1000x128xi32, #tpu.memory_space<vmem>>, vector<1000x128xi32>
    %shift_left3A = arith.constant 16 : i32
    %shift_left3A_2 = vector.broadcast %shift_left3A : i32 to vector<1000x128xi32>
    %shift_left3A_3 = arith.shli %get3A_1, %shift_left3A_2 : vector<1000x128xi32>
    %bitcast_convert_type3A = tpu.bitcast %shift_left3A_3 : vector<1000x128xi32> -> vector<1000x128xf32>
    %and3A = arith.constant -65536 : i32
    %and3A_4 = vector.broadcast %and3A : i32 to vector<1000x128xi32>
    %and3A_5 = arith.andi %get3A_1, %and3A_4 : vector<1000x128xi32>
    %bitcast_convert_type3A_6 = tpu.bitcast %and3A_5 : vector<1000x128xi32> -> vector<1000x128xf32>
    %get3A_7 = arith.constant 0 : index
    %get3A_8 = arith.constant 0 : index
    %get3A_9 = arith.constant 0 : index
    %get3A_10 = vector.load %arg2[%get3A_7, %get3A_8, %get3A_9] : memref<6x1000x128xi32, #tpu.memory_space<vmem>>, vector<6x1000x128xi32>
    %shift_left3A_11 = arith.constant 16 : i32
    %shift_left3A_12 = vector.broadcast %shift_left3A_11 : i32 to vector<6x1000x128xi32>
    %shift_left3A_13 = arith.shli %get3A_10, %shift_left3A_12 : vector<6x1000x128xi32>
    %bitcast_convert_type3A_14 = tpu.bitcast %shift_left3A_13 : vector<6x1000x128xi32> -> vector<6x1000x128xf32>
    %and3A_15 = arith.constant -65536 : i32
    %and3A_16 = vector.broadcast %and3A_15 : i32 to vector<6x1000x128xi32>
    %and3A_17 = arith.andi %get3A_10, %and3A_16 : vector<6x1000x128xi32>
    %bitcast_convert_type3A_18 = tpu.bitcast %and3A_17 : vector<6x1000x128xi32> -> vector<6x1000x128xf32>
    %broadcast_in_dim3A = vector.shape_cast %bitcast_convert_type3A : vector<1000x128xf32> to vector<1x1000x128xf32>
    %mul3A = vector.broadcast %broadcast_in_dim3A : vector<1x1000x128xf32> to vector<6x1000x128xf32>
    %mul3A_19 = arith.mulf %mul3A, %bitcast_convert_type3A_14 : vector<6x1000x128xf32>
    %reduce_sum3A = arith.constant dense<0.000000e+00> : vector<6x1000xf32>
    %reduce_sum3A_20 = vector.multi_reduction <add>, %mul3A_19, %reduce_sum3A [2] : vector<6x1000x128xf32> to vector<6x1000xf32>
    %broadcast_in_dim3A_21 = vector.shape_cast %bitcast_convert_type3A_6 : vector<1000x128xf32> to vector<1x1000x128xf32>
    %mul3A_22 = vector.broadcast %broadcast_in_dim3A_21 : vector<1x1000x128xf32> to vector<6x1000x128xf32>
    %mul3A_23 = arith.mulf %mul3A_22, %bitcast_convert_type3A_18 : vector<6x1000x128xf32>
    %reduce_sum3A_24 = arith.constant dense<0.000000e+00> : vector<6x1000xf32>
    %reduce_sum3A_25 = vector.multi_reduction <add>, %mul3A_23, %reduce_sum3A_24 [2] : vector<6x1000x128xf32> to vector<6x1000xf32>
    %add3A = arith.addf %reduce_sum3A_20, %reduce_sum3A_25 : vector<6x1000xf32>
    %slice3A = vector.extract_strided_slice %add3A {offsets = [1, 0], sizes = [5, 1000], strides = [1, 1]} : vector<6x1000xf32> to vector<5x1000xf32>
    %exp3A = math.exp %slice3A : vector<5x1000xf32>
    %reduce_sum3A_26 = arith.constant dense<0.000000e+00> : vector<1000xf32>
    %reduce_sum3A_27 = vector.multi_reduction <add>, %exp3A, %reduce_sum3A_26 [0] : vector<5x1000xf32> to vector<1000xf32>
    %log3A = math.log %reduce_sum3A_27 : vector<1000xf32>
    %eq3A = arith.constant 0 : i32
    %eq3A_28 = arith.cmpi eq, %arg0, %eq3A : i32
    %convert_element_type3A = arith.extui %eq3A_28 : i1 to i32
    %cond3A = arith.constant 0 : i32
    %cond3A_29 = arith.cmpi ne, %convert_element_type3A, %cond3A : i32
    scf.if %cond3A_29 {
      %swap3A_43 = arith.constant 0.000000e+00 : f32
      %swap3A_44 = arith.constant 0 : index
      %swap3A_45 = arith.constant 0 : index
      %swap3A_46 = memref.load %arg3[%swap3A_44, %swap3A_45] : memref<1x1xf32, #tpu.memory_space<smem>>
      memref.store %swap3A_43, %arg3[%swap3A_44, %swap3A_45] : memref<1x1xf32, #tpu.memory_space<smem>>
    } else {
    }
    %get3A_30 = arith.constant 0 : index
    %get3A_31 = arith.constant 0 : index
    %get3A_32 = memref.load %arg3[%get3A_30, %get3A_31] : memref<1x1xf32, #tpu.memory_space<smem>>
    %slice3A_33 = vector.extract_strided_slice %add3A {offsets = [0, 0], sizes = [1, 1000], strides = [1, 1]} : vector<6x1000xf32> to vector<1x1000xf32>
    %squeeze3A = vector.shape_cast %slice3A_33 : vector<1x1000xf32> to vector<1000xf32>
    %sub3A = arith.subf %log3A, %squeeze3A : vector<1000xf32>
    %reduce_sum3A_34 = vector.shape_cast %sub3A : vector<1000xf32> to vector<1x1000xf32>
    %reduce_sum3A_35 = arith.constant dense<0.000000e+00> : vector<1xf32>
    %reduce_sum3A_36 = vector.multi_reduction <add>, %reduce_sum3A_34, %reduce_sum3A_35 [1] : vector<1x1000xf32> to vector<1xf32>
    %reduce_sum3A_37 = vector.shape_cast %reduce_sum3A_36 : vector<1xf32> to vector<1x1xf32>
    %reduce_sum3A_38 = vector.extract %reduce_sum3A_37[0, 0] : f32 from vector<1x1xf32>
    %div3A = arith.constant 1.000000e+04 : f32
    %div3A_39 = arith.divf %reduce_sum3A_38, %div3A : f32
    %add3A_40 = arith.addf %get3A_32, %div3A_39 : f32
    %swap3A = arith.constant 0 : index
    %swap3A_41 = arith.constant 0 : index
    %swap3A_42 = memref.load %arg3[%swap3A, %swap3A_41] : memref<1x1xf32, #tpu.memory_space<smem>>
    memref.store %add3A_40, %arg3[%swap3A, %swap3A_41] : memref<1x1xf32, #tpu.memory_space<smem>>
    return
  }
  func.func @transform_0(%arg0: i32) -> (i32, i32) {
    %c0_i32 = arith.constant 0 : i32
    %c0_i32_0 = arith.constant 0 : i32
    return %arg0, %c0_i32 : i32, i32
  }
  func.func @transform_1(%arg0: i32) -> (i32, i32, i32) {
    %c0_i32 = arith.constant 0 : i32
    %c0_i32_0 = arith.constant 0 : i32
    %c0_i32_1 = arith.constant 0 : i32
    return %c0_i32, %arg0, %c0_i32_0 : i32, i32, i32
  }
  func.func @transform_2(%arg0: i32) -> (i32, i32) {
    %c0_i32 = arith.constant 0 : i32
    %c0_i32_0 = arith.constant 0 : i32
    %c0_i32_1 = arith.constant 0 : i32
    return %c0_i32, %c0_i32_0 : i32, i32
  }
}

</mosaic_0001>

<sc_bundles>
// kernel: kernel.6.cloned.1.call-start
scs
__scs_entry_jumppad:
0x0: {  	(pc) =	sbr.rel $0x88, $3  }
0x1: {  	(tag) =	ssettag $0x0;
	lr =	simm.s32 $0x1  }
0x2: {  	[smem:$0x3F9A] =	sst lr;
	_ =	strace $0xD0000000  }
0x3: {  	_ = 	snop  }
0x4: {  	_ = 	snop  }
0x5: {  	_ = 	snop  }
0x6: {  	_ = 	snop  }
0x7: {  	_ = 	snop  }
__scs_overlays_trampoline_lowered:
0x8: {  	[smem:$0x3FA9] =	sst s0  }
0x9: {  	[smem:$0x3FAA] =	sst s1  }
0xa: {  	[smem:$0x3FAB] =	sst s2  }
0xb: {  	[smem:$0x3FAC] =	sst s3  }
0xc: {  	[smem:$0x3FAD] =	sst s4  }
0xd: {  	[smem:$0x3FAE] =	sst s5  }
0xe: {  	[smem:$0x3FAF] =	sst s6  }
0xf: {  	[smem:$0x3FB0] =	sst s7  }
0x10: {  	[smem:$0x3FB1] =	sst s8  }
0x11: {  	[smem:$0x3FB2] =	sst s9;
	s0 =	simm.s32 @!p0 $0x0  }
0x12: {  	s1 =	sld [smem:$0x3F98];
	s0 =	simm.s32 @p0 $0x1  }
0x13: {  	[smem:$0x3FB3] =	sst s0;
	s0 =	simm.s32 @!p1 $0x0  }
0x14: {  	s2 =	sld [smem:$0x3F97];
	s0 =	simm.s32 @p1 $0x1  }
0x15: {  	[smem:$0x3FB4] =	sst s0;
	s0 =	simm.s32 @!p2 $0x0  }
0x16: {  	s3 =	sld [smem:$0x3FDB];
	s0 =	simm.s32 @p2 $0x1  }
0x17: {  	s4 =	simm.s32 $0x1BF5;
	[smem:$0x3FB6] =	sst s0  }
0x18: {  	s0 =	sld [smem:$0x3F99];
	_ =	swait.ge [sflag:s4], $0x0  }
0x19: {  	s7 =	sld [smem:$0x3F9A]  }
0x1a: {  	s8 =	sadd.s32 $0xFFFFE003, lr  }
0x1b: {  	s9 =	sadd.s32 $0xFFFFFEF7, lr;
	s5 =	simm.s32 $0xFFFFFFFF;
	p2 =	slt.u32 s8, $0xFFFFF086  }
0x1c: {  	p1 =	slt.u32 s9, $0xF7A;
	s5 =	simm.s32 @!p2 $0x0  }
0x1d: {  	s5 =	simm.s32 @p1 $0x1;
	p0 =	seq.s32 s7, s2  }
0x1e: {  	s7 =	smul.u32 @!p0 $0xF7A, s2;
	p2 =	seq.s32 @!p0 s5, $0x0  }
0x1f: {  	s9 =	smul.u32 $0xF7A, s1;
	s8 =	simm.s32 @!p0 $0x1BF5;
	p2 =	por !p2, p0  }
0x20: {  	[sflag:s8] =	ssyncset.s32 @!p0 $0xFFFFF086;
	s6 =	sadd.s32 @!p0 s3, s7;
	s7 =	simm.s32 @!p0 $0x108  }
0x21: {  	s3 =	sadd.s32 s3, s9;
	s6 =	sadd.s32 @!p0 $0x88, s6;
	s7 =	simm.s32 @p2 $0x1082  }
0x22: {  	[simem:s7], [sflag:s8] =	dma.local @!p0 [hbm:s6], $0xF7A  }
0x23: {  	s9 =	sor.u32 $0xD0000000, s2;
	s6 =	simm.s32 $0x108;
	_ =	swait.ge @!p0 [sflag:s8], $0x0  }
0x24: {  	s3 =	sadd.s32 $0x88, s3;
	s6 =	simm.s32 @!p1 $0x1082;
	[sflag:s4] =	ssyncset.s32 $0xFFFFF086  }
0x25: {  	[simem:s6], [sflag:s4] =	dma.local [hbm:s3], $0xF7A  }
0x26: {  	[smem:$0x3F9A] =	sst s1;
	(tag) =	ssettag s2;
	_ =	strace s9  }
0x27: {  	s1 =	sld [smem:$0x3FAA]  }
0x28: {  	s2 =	sld [smem:$0x3FAB]  }
0x29: {  	s4 =	sld [smem:$0x3FAD]  }
0x2a: {  	p0 =	seq.s32 s5, $0x0;
	s5 =	sld [smem:$0x3FAE]  }
0x2b: {  	s6 =	sld [smem:$0x3FAF]  }
0x2c: {  	s7 =	sld [smem:$0x3FB0]  }
0x2d: {  	s3 =	simm.s32 $0x108;
	s8 =	sld [smem:$0x3FB1]  }
0x2e: {  	s3 =	simm.s32 @!p0 $0x1082;
	s9 =	sld [smem:$0x3FB2]  }
0x2f: {  	lr =	sadd.s32 s0, s3;
	s0 =	sld [smem:$0x3FA9]  }
0x30: {  	s3 =	sld [smem:$0x3FAC]  }
0x31: {  	[smem:$0x3FB5] =	sst s10  }
0x32: {  	s10 =	sld [smem:$0x3FB3];
	_ =	sdelay $0x3  }
0x33: {  	p0 =	seq.s32 s10, $0x1;
	s10 =	sld [smem:$0x3FB5];
	_ =	sdelay $0x3  }
0x34: {  	[smem:$0x3FB5] =	sst s10  }
0x35: {  	s10 =	sld [smem:$0x3FB4];
	_ =	sdelay $0x3  }
0x36: {  	p1 =	seq.s32 s10, $0x1;
	s10 =	sld [smem:$0x3FB5];
	_ =	sdelay $0x3  }
0x37: {  	[smem:$0x3FB5] =	sst s10  }
0x38: {  	s10 =	sld [smem:$0x3FB6]  }
0x39: {  	_ = 	snop;
	(pc) =	sbr.ind lr, $3  }
0x3a: {  	_ = 	snop  }
0x3b: {  	_ = 	snop  }
0x3c: {  	p2 =	seq.s32 s10, $0x1;
	s10 =	sld [smem:$0x3FB5]  }
0x3d: {  	_ =	shalt  }
0x3e: {  	_ =	shalt  }
0x3f: {  	_ =	shalt  }
0x40: {  	_ =	shalt  }
0x41: {  	_ =	shalt  }
0x42: {  	_ =	shalt  }
0x43: {  	_ =	shalt  }
0x44: {  	_ =	shalt  }
0x45: {  	_ =	shalt  }
0x46: {  	_ =	shalt  }
0x47: {  	_ =	shalt  }
0x48: {  	_ =	shalt  }
0x49: {  	_ =	shalt  }
0x4a: {  	_ =	shalt  }
0x4b: {  	_ =	shalt  }
0x4c: {  	_ =	shalt  }
0x4d: {  	_ =	shalt  }
0x4e: {  	_ =	shalt  }
0x4f: {  	_ =	shalt  }
0x50: {  	_ =	shalt  }
0x51: {  	_ =	shalt  }
0x52: {  	_ =	shalt  }
0x53: {  	_ =	shalt  }
0x54: {  	_ =	shalt  }
0x55: {  	_ =	shalt  }
0x56: {  	_ =	shalt  }
0x57: {  	_ =	shalt  }
0x58: {  	_ =	shalt  }
0x59: {  	_ =	shalt  }
0x5a: {  	_ =	shalt  }
0x5b: {  	_ =	shalt  }
0x5c: {  	_ =	shalt  }
0x5d: {  	_ =	shalt  }
0x5e: {  	_ =	shalt  }
0x5f: {  	_ =	shalt  }
0x60: {  	_ =	shalt  }
0x61: {  	_ =	shalt  }
0x62: {  	_ =	shalt  }
0x63: {  	_ =	shalt  }
0x64: {  	_ =	shalt  }
0x65: {  	_ =	shalt  }
0x66: {  	_ =	shalt  }
0x67: {  	_ =	shalt  }
0x68: {  	_ =	shalt  }
0x69: {  	_ =	shalt  }
0x6a: {  	_ =	shalt  }
0x6b: {  	_ =	shalt  }
0x6c: {  	_ =	shalt  }
0x6d: {  	_ =	shalt  }
0x6e: {  	_ =	shalt  }
0x6f: {  	_ =	shalt  }
0x70: {  	_ =	shalt  }
0x71: {  	_ =	shalt  }
0x72: {  	_ =	shalt  }
0x73: {  	_ =	shalt  }
0x74: {  	_ =	shalt  }
0x75: {  	_ =	shalt  }
0x76: {  	_ =	shalt  }
0x77: {  	_ =	shalt  }
0x78: {  	_ =	shalt  }
0x79: {  	_ =	shalt  }
0x7a: {  	_ =	shalt  }
0x7b: {  	_ =	shalt  }
0x7c: {  	_ =	shalt  }
0x7d: {  	_ =	shalt  }
0x7e: {  	_ =	shalt  }
0x7f: {  	_ =	shalt  }
0x80: {  	_ =	shalt  }
0x81: {  	_ =	shalt  }
0x82: {  	_ =	shalt  }
0x83: {  	_ =	shalt  }
0x84: {  	_ =	shalt  }
0x85: {  	_ =	shalt  }
0x86: {  	_ =	shalt  }
0x87: {  	_ =	shalt  }
.Lfunc_end0:
.L_simem_size_0:
called_computation_lowered:
.L_overlay_start_0:
0x88: {  	s2 =	sld [smem:$0x3FD9]  }
0x89: {  	s3 =	sld [smem:$0x3FFE];
	_ =	sdelay $0x1  }
0x8a: {  	s1 =	srdreg.scid  }
0x8b: {  	s0 =	sand.u32 $0x1, s1  }
0x8c: {  	s16 =	sshll.u32 s0, $0xA;
	s2 =	sadd.s32 s3, s2  }
0x8d: {  	s2 =	sadd.s32 s2, s16  }
0x8e: {  	[smem:$0x3FC1] =	sst s2  }
0x8f: {  	_ = 	snop  }
0x90: {  	(tm) =	ssettm $0x1  }
0x91: {  	s17 =	sld [smem:$0x3FFB];
	_ =	sdelay $0x3  }
0x92: {  	_ =	strace s17  }
0x93: {  	s2 =	sld [smem:$0x3FFC];
	_ =	sdelay $0x3  }
0x94: {  	_ =	strace s2  }
0x95: {  	s2 =	sld [smem:$0x3FFD];
	_ =	sdelay $0x3  }
0x96: {  	_ =	strace s2  }
0x97: {  	_ =	strace $0x8FFFFFFF  }
0x98: {  	s18 =	sld [smem:$0x3FDB];
	_ =	sdelay $0x1  }
0x99: {  	s19 =	simm.s32 $_scs_section_size  }
0x9a: {  	s4 =	simm.s32 $_size__tile_overlayer_lowered;
	s5 =	simm.s32 $_tile_overlayer_lowered  }
0x9b: {  	s22 =	simm.s32 $0x1BFF;
	s21 =	sshll.u32 s5, $0x1;
	s2 =	sadd.s32 s19, s18  }
0x9c: {  	s6 =	simm.s32 $0x0;
	s20 =	sshll.u32 s4, $0x1;
	s4 =	sadd.s32 s21, s2  }
0x9d: {  	[timem:s6], [sflag:s22] =	dma.local [hbm:s4], s20  }
0x9e: {  	_ =	swait.ge [sflag:s22], s20  }
0x9f: {  	s3 =	ssub.s32 $0x0, s20;
	[sflag:s22] =	ssyncset.done $0x0  }
0xa0: {  	[sflag:s22] =	ssyncadd.s32 s3;
	_ =	sdelay $0x1  }
0xa1: {  	s23 =	simm.s32 $0x1B8B  }
0xa2: {  	_ =	swait.ge [sflag:s23], $0x1  }
0xa3: {  	[sflag:s23] =	ssyncset.done $0x0  }
0xa4: {  	s25 =	simm.s32 $0x1B8E;
	s24 =	sld [smem:$0x3FFE];
	[sflag:s23] =	ssyncadd.s32 $0xFFFFFFFF  }
0xa5: {  	s26 =	simm.s32 $execute0_lowered;
	[smem:$0x3FD2] =	sst s25  }
0xa6: {  	s4 =	sshll.u32 s26, $0x1;
	_ =	strace $0x80000046;
	[dreg:$0x1] =	wrdreg $0xFFFFFFFF  }
0xa7: {  	s28 =	simm.s32 $_size_execute0_lowered;
	s2 =	sadd.s32 s2, s4;
	[dreg:$0x0] =	wrdreg $0x0  }
0xa8: {  	s4 =	sshll.u32 s28, $0x1;
	[dreg:$0x2] =	wrdreg s2  }
0xa9: {  	[dreg:$0x3] =	wrdreg s4  }
0xaa: {  	[dreg:$0x4] =	wrdreg $0xC0  }
0xab: {  	_ =	task [dreg:s6], $0x5FFFF  }
0xac: {  	[dreg:$0x1] =	wrdreg $0xFFFFFFFF  }
0xad: {  	[dreg:$0x0] =	wrdreg $0x60  }
0xae: {  	[dreg:$0x2] =	wrdreg s24  }
0xaf: {  	[dreg:$0x3] =	wrdreg $0x9  }
0xb0: {  	_ =	task.clear_ibuf [dreg:s6], $0x4FFFF;
	_ =	strace $0x90000046  }
0xb1: {  	s29 =	simm.s32 $0x9;
	_ =	strace $0x8000004F  }
0xb2: {  	_ =	swait.ge [sflag:s29], $0x1  }
0xb3: {  	[sflag:s29] =	ssyncadd.s32 $0xFFFFFFFF  }
0xb4: {  	_ =	strace $0x9000004F  }
0xb5: {  	_ =	sfence  }
0xb6: {  	s30 =	sld [smem:$0x0];
	_ =	sdelay $0x2  }
0xb7: {  	s31 =	sshll.u32 s1, $0xD;
	s1 =	sshrl.u32 s1, $0x2  }
0xb8: {  	s3 =	sand.u32 $0x4000, s31;
	s1 =	sadd.s32 s1, s30  }
0xb9: {  	s0 =	sor.u32 s3, s0;
	s1 =	sshll.u32 s1, $0x11  }
0xba: {  	s0 =	sor.u32 s1, s0  }
0xbb: {  	s0 =	sadd.s32 $0x8F2B, s0  }
0xbc: {  	[sflag:s0] =	ssyncadd.remote.s32 $0x1  }
0xbd: {  	_ =	sfence.sel $0xFFFF  }
0xbe: {  	[dreg:$0x0] =	wrdreg $0xFFFFFFFF;
	(pc) =	sbr.abs _section_cstart, $3  }
0xbf: {  	[dreg:$0x1] =	wrdreg $0xFFFFFFFF  }
0xc0: {  	_ =	task.clear_ibuf [dreg:s6], $0x2FFFF;
	_ =	strace $0x9FFFFFFF  }
0xc1: {  	(tm) =	ssettm $0x7FFFFFFF  }
tec
execute0_lowered:
.L_overlay_start_1:
0x0: {  	(tag) =	ssettag $0x1  }
0x1: {  	s4 =	rddreg [dreg:$0x0];
	s1 =	srdreg.scid  }
0x2: {  	s0 =	rddreg [dreg:$0x1];
	s2 =	simm.s32 $0x0;
	s9 =	simm.s32 $0x1  }
0x3: {  	s10 =	simm.s32 $0xF0;
	s11 =	simm.s32 $0x0;
	s5 =	sand.u32 $0x1, s1  }
0x4: {  	s1 =	stileid.u32;
	[smem:$0x7FF] =	sst s2;
	s3 =	sshll.u32 s5, $0x4  }
0x5: {  	s6 =	sadd.s32 $0x3000, s4;
	s28 =	sadd.s32 $0x2A200, s4;
	s3 =	sor.u32 s1, s3  }
0x6: {  	_ =	strace $0x80000047;
	[dreg:$0x2] =	wrdreg s6;
	s7 =	smul.u32 $0x7, s3  }
0x7: {  	s4 =	sadd.s32 $0x1000, s4;
	[dreg:$0x4] =	wrdreg s28;
	s29 =	ssub.s32 $0x2, s5  }
0x8: {  	p0 =	slt.u32 s3, $0x1A;
	s8 =	sshll.u32 s3, $0x3;
	s3 =	sadd.s32 $0x1A, s7  }
0x9: {  	s5 =	simm.s32 $0x8;
	[dreg:$0x3] =	wrdreg s10;
	s3 =	smov.u32 @p0 s8  }
0xa: {  	s10 =	simm.s32 $0x5;
	s31 =	sshrl.u32 s29, $0x1;
	s30 =	sshll.u32 s3, $0x5  }
0xb: {  	s5 =	simm.s32 @!p0 $0x7;
	s8 =	ssub.s32 s29, s31;
	s7 =	sand.u32 $0x1FFFFFE0, s30  }
0xc: {  	s8 =	smax.u32 s8, $0x1;
	s6 =	sadd.s32 s4, s7;
	s7 =	sadd.s32 $0xFFFFFFFF, s5  }
.LBB2_1:
0xd: {  	_ =	strace $0x80000048;
	p2 =	sne.s32 s5, $0x1  }
.Ltmp0:
0xe: {  	p0 =	seq.s32 s5, $0x1;
	s25 =	simm.s32 $0x1;
	(pc) =	sbr.rel @!p2 .LBB2_2-.Ltmp0, $4  }
0xf: {  	[tilespmem:s2], [sflag:$0x1] =	stream.linear.gather [hbm4b:s6+s2], $0x100, $0x200038;
	[tilespmem:$0xF200] =	vst v63  }
0x10: {  	s12 =	simm.s32 $0x1;
	s25 =	simm.s32 @p0 $0x0  }
0x11: {  	p6 =	sgt.s32 s7, $0x0;
	s13 =	sadd.s32 $0x0, s3;
	p1 =	sne.s32 s25, $0x0  }
0x12: {  	p5 =	por $0x0, $0x0;
	_ =	strace $0x90000048;
	p3 =	por !p6, !p1  }
0x13: {  	p2 =	por !p3, !p3  }
0x14: {  	s22 =	sand.u32 $0x1, s2;
	s18 =	simm.s32 $0x2;
	s14 =	sadd.s32 @p2 s3, s25  }
0x15: {  	p0 =	por p1, p1;
	s15 =	sand.u32 @p2 $0x1, s9;
	s14 =	sshll.u32 @p2 s14, $0x5  }
0x16: {  	_ =	strace @p2 $0x80000049;
	s17 =	simm.s32 @p2 $0x0;
	s14 =	sand.u32 @p2 $0x1FFFFFE0, s14  }
0x17: {  	s16 =	sshll.u32 @p2 s15, $0x8;
	s15 =	sadd.s32 @p2 $0x1, s15;
	s14 =	sadd.s32 @p2 s4, s14  }
0x18: {  	[tilespmem:s16], [sflag:s15] =	stream.linear.gather @p2 [hbm4b:s14+s17], $0x100, $0x200038;
	[tilespmem:$0xF200] =	vst v63  }
0x19: {  	p4 =	sne.s32 s5, $0x2;
	p1 =	por $0x1, $0x1;
	_ =	strace @p2 $0x90000049  }
0x1a: {  	s21 =	sadd.s32 $0x1, s25;
	s26 =	sadd.s32 $0x1, s22;
	_ =	strace $0x8000004A  }
0x1b: {  	s30 =	simm.s32 $0x0;
	p6 =	sgt.s32 s7, $0x1;
	_ =	swait.ge [sflag:s26], $0x100  }
0x1c: {  	p5 =	por $0x0, $0x0;
	s28 =	smul.u32 $0x1E000, s22;
	[sflag:s26] =	ssyncset.done $0x0  }
0x1d: {  	s19 =	sand.u32 @!p1 $0x1, s2;
	p3 =	seq.s32 s21, s5;
	[sflag:s26] =	ssyncadd.s32 $0xFFFFFF00  }
0x1e: {  	s31 =	sand.u32 $0x100, s30;
	s29 =	sshrl.u32 s28, $0x2;
	_ =	strace $0x9000004A  }
0x1f: {  	s21 =	simm.s32 @p3 $0x0;
	s24 =	sor.u32 $0x200, s29;
	_ =	strace $0x8000004B  }
0x20: {  	s17 =	sadd.s32 s3, s25;
	s15 =	simm.s32 $0x1;
	s20 =	rddreg [dreg:$0x3]  }
0x21: {  	s14 =	simm.s32 $0x0;
	s15 =	simm.s32 @!p2 $0x0;
	s23 =	rddreg [dreg:$0x2]  }
0x22: {  	[tilespmem:s24], [sflag:$0x5] =	stream.indirect.gather [hbm4b:s23+s20], $0x80, s31, s20, $0x2000b8;
	[tilespmem:$0xF200] =	vst v63  }
.Ltmp1:
0x23: {  	p2 =	por p1, p1;
	p1 =	sne.s32 s25, s21;
	(pc) =	sbr.rel @!p4 .LBB2_4-.Ltmp1, $4  }
0x24: {  	s16 =	sadd.s32 $0x1, s15;
	p3 =	por !p6, !p1;
	_ =	swait.ge [sflag:s10], $0x7800  }
0x25: {  	p6 =	seq.s32 s7, $0x0;
	s15 =	simm.s32 $0x0;
	[sflag:s10] =	ssyncset.done $0x0  }
0x26: {  	p6 =	por p6, p0;
	s23 =	simm.s32 $0x1;
	[sflag:s10] =	ssyncadd.s32 $0xFFFF8800  }
0x27: {  	s20 =	simm.s32 $0x0;
	s23 =	simm.s32 @!p5 $0x0;
	_ =	strace $0x9000004B  }
.LBB2_5:
0x28: {  	_ =	strace @p6 $0x8000004C;
	s28 =	simm.s32 $0x1;
	s25 =	smov.u32 s12  }
0x29: {  	s12 =	smov.u32 s18;
	s18 =	sadd.s32 $0x1, s18;
	s13 =	smul.u32 @p6 $0x7800, s13  }
0x2a: {  	s26 =	smov.u32 s21;
	p4 =	por p1, p1;
	s22 =	sadd.s32 @p6 $0x3, s22  }
0x2b: {  	p3 =	por !p3, !p3;
	s29 =	rddreg [dreg:$0x4];
	s13 =	sshrl.u32 @p6 s13, $0x3  }
0x2c: {  	s14 =	sadd.s32 s23, s14;
	s13 =	sadd.s32 @p6 s29, s13;
	s29 =	simm.s32 @p6 $0x0  }
0x2d: {  	[hbm4b:s13+s29] =	stream.linear.scatter @p6 [tilespmem:s24], [sflag:s22], $0x7800, $0x200038;
	[tilespmem:$0xF200] =	vst v63  }
0x2e: {  	s28 =	simm.s32 @!p6 $0x0;
	p5 =	sne.s32 s5, s18;
	_ =	strace @p6 $0x9000004C  }
0x2f: {  	p1 =	seq.s32 s25, $0x0;
	s13 =	sadd.s32 @!p2 $0x3, s19;
	_ =	strace @!p2 $0x8000004D  }
0x30: {  	s15 =	sadd.s32 s28, s15;
	s20 =	sadd.s32 s28, s20;
	_ =	swait.ge @!p2 [sflag:s13], $0x7800  }
0x31: {  	s19 =	sand.u32 @p3 $0x1, s16;
	s22 =	sadd.s32 @p3 s3, s21;
	[sflag:s13] =	ssyncset.done @!p2 $0x0  }
0x32: {  	s23 =	sshll.u32 @p3 s19, $0x8;
	s22 =	sshll.u32 @p3 s22, $0x5;
	[sflag:s13] =	ssyncadd.s32 @!p2 $0xFFFF8800  }
0x33: {  	s13 =	sadd.s32 @p3 $0x1, s19;
	s19 =	sand.u32 @p3 $0x1FFFFFE0, s22;
	_ =	strace @!p2 $0x9000004D  }
0x34: {  	s22 =	simm.s32 @p3 $0x0;
	s19 =	sadd.s32 @p3 s4, s19;
	_ =	strace @p3 $0x80000049  }
0x35: {  	[tilespmem:s23], [sflag:s13] =	stream.linear.gather @p3 [hbm4b:s19+s22], $0x100, $0x200038;
	[tilespmem:$0xF200] =	vst v63  }
0x36: {  	s30 =	sand.u32 $0x1, s15;
	s28 =	sand.u32 $0x1, s20;
	_ =	strace @p3 $0x90000049  }
0x37: {  	s31 =	smul.u32 $0x1E000, s30;
	s28 =	sadd.s32 $0x1, s28;
	_ =	strace $0x8000004A  }
0x38: {  	s24 =	sadd.s32 s3, s21;
	s21 =	sadd.s32 $0x1, s21;
	_ =	swait.ge [sflag:s28], $0x100  }
0x39: {  	s29 =	sshrl.u32 s31, $0x2;
	s31 =	sshll.u32 s20, $0x8;
	[sflag:s28] =	ssyncset.done $0x0  }
0x3a: {  	s31 =	sand.u32 $0x100, s31;
	p2 =	por p1, p1;
	[sflag:s28] =	ssyncadd.s32 $0xFFFFFF00  }
0x3b: {  	s13 =	simm.s32 $0x1;
	s19 =	sand.u32 @!p1 $0x1, s14;
	_ =	strace $0x9000004A  }
0x3c: {  	p1 =	seq.s32 s21, s5;
	s13 =	simm.s32 @!p3 $0x0;
	_ =	strace $0x8000004B  }
0x3d: {  	s16 =	sadd.s32 s13, s16;
	s13 =	smov.u32 s17;
	s23 =	rddreg [dreg:$0x3]  }
0x3e: {  	s17 =	smov.u32 s24;
	s24 =	sor.u32 $0x200, s29;
	s28 =	rddreg [dreg:$0x2]  }
0x3f: {  	[tilespmem:s24], [sflag:$0x5] =	stream.indirect.gather [hbm4b:s28+s23], $0x80, s31, s23, $0x2000b8;
	[tilespmem:$0xF200] =	vst v63  }
.Ltmp2:
0x40: {  	p0 =	sne.s32 s25, $0x0;
	s21 =	simm.s32 @p1 $0x0;
	(pc) =	sbr.rel @p5 .LBB2_5-.Ltmp2, $4  }
0x41: {  	p6 =	slt.s32 s12, s7;
	p1 =	sne.s32 s26, s21;
	_ =	swait.ge [sflag:s10], $0x7800  }
0x42: {  	s22 =	smov.u32 s30;
	p3 =	por !p6, !p1;
	[sflag:s10] =	ssyncset.done $0x0  }
0x43: {  	p6 =	seq.s32 s7, s25;
	s23 =	simm.s32 $0x1;
	[sflag:s10] =	ssyncadd.s32 $0xFFFF8800  }
0x44: {  	p6 =	por p6, p4;
	s23 =	simm.s32 @!p0 $0x0;
	_ =	strace $0x9000004B  }
0x45: {  	s18 =	smov.u32 s13  }
0x46: {  	s25 =	smov.u32 s21;
	s13 =	smov.u32 s17;
	p5 =	por $0x1, $0x1  }
.LBB2_7:
0x47: {  	p0 =	por !p6, !p5  }
0x48: {  	s17 =	smul.u32 @!p0 $0x7800, s18  }
0x49: {  	s21 =	simm.s32 $0x1;
	_ =	strace @!p0 $0x8000004C  }
0x4a: {  	p4 =	por p2, !p5;
	s18 =	rddreg [dreg:$0x4];
	s17 =	sshrl.u32 @!p0 s17, $0x3  }
0x4b: {  	s22 =	sadd.s32 @!p0 $0x3, s22;
	s17 =	sadd.s32 @!p0 s18, s17;
	s18 =	simm.s32 @!p0 $0x0  }
0x4c: {  	[hbm4b:s17+s18] =	stream.linear.scatter @!p0 [tilespmem:s24], [sflag:s22], $0x7800, $0x200038;
	[tilespmem:$0xF200] =	vst v63  }
0x4d: {  	p2 =	por !p3, !p3;
	s21 =	simm.s32 @p0 $0x0;
	_ =	strace @!p0 $0x9000004C  }
0x4e: {  	s19 =	sadd.s32 @!p4 $0x3, s19;
	s16 =	sand.u32 @p2 $0x1, s16;
	_ =	strace @!p4 $0x8000004D  }
0x4f: {  	s17 =	sadd.s32 @p5 s21, s20;
	s18 =	simm.s32 $0x0;
	_ =	swait.ge @!p4 [sflag:s19], $0x7800  }
0x50: {  	s18 =	smov.u32 @p5 s17;
	s17 =	sadd.s32 @p2 s3, s25;
	[sflag:s19] =	ssyncset.done @!p4 $0x0  }
0x51: {  	s20 =	sshll.u32 @p2 s16, $0x8;
	s17 =	sshll.u32 @p2 s17, $0x5;
	[sflag:s19] =	ssyncadd.s32 @!p4 $0xFFFF8800  }
0x52: {  	s16 =	sadd.s32 @p2 $0x1, s16;
	s17 =	sand.u32 @p2 $0x1FFFFFE0, s17;
	_ =	strace @!p4 $0x9000004D  }
0x53: {  	s17 =	sadd.s32 @p2 s4, s17;
	s19 =	simm.s32 @p2 $0x0;
	_ =	strace @p2 $0x80000049  }
0x54: {  	[tilespmem:s20], [sflag:s16] =	stream.linear.gather @p2 [hbm4b:s17+s19], $0x100, $0x200038;
	[tilespmem:$0xF200] =	vst v63  }
0x55: {  	s28 =	sand.u32 $0x1, s18;
	_ =	strace @p2 $0x90000049  }
0x56: {  	s16 =	sadd.s32 $0x1, s28;
	_ =	strace $0x8000004A  }
0x57: {  	s15 =	sadd.s32 @p5 s21, s15;
	s17 =	simm.s32 $0x0;
	_ =	swait.ge [sflag:s16], $0x100  }
0x58: {  	s17 =	smov.u32 @p5 s15;
	[sflag:s16] =	ssyncset.done $0x0  }
0x59: {  	s15 =	sand.u32 $0x1, s17;
	[sflag:s16] =	ssyncadd.s32 $0xFFFFFF00  }
0x5a: {  	s29 =	smul.u32 $0x1E000, s15;
	_ =	strace $0x9000004A  }
0x5b: {  	_ =	strace $0x8000004B  }
0x5c: {  	s18 =	sshll.u32 s18, $0x8;
	s16 =	sshrl.u32 s29, $0x2;
	s30 =	rddreg [dreg:$0x3]  }
0x5d: {  	s18 =	sand.u32 $0x100, s18;
	s16 =	sor.u32 $0x200, s16;
	s31 =	rddreg [dreg:$0x2]  }
0x5e: {  	[tilespmem:s16], [sflag:$0x5] =	stream.indirect.gather [hbm4b:s31+s30], $0x80, s18, s30, $0x2000b8;
	[tilespmem:$0xF200] =	vst v63  }
0x5f: {  	_ =	swait.ge [sflag:s10], $0x7800  }
0x60: {  	p6 =	seq.s32 s7, s12;
	p4 =	por p1, p1;
	[sflag:s10] =	ssyncset.done $0x0  }
0x61: {  	p1 =	por p6, p4;
	[sflag:s10] =	ssyncadd.s32 $0xFFFF8800  }
0x62: {  	s14 =	sadd.s32 @p5 s23, s14;
	s13 =	smul.u32 @p1 $0x7800, s13;
	_ =	strace $0x9000004B  }
0x63: {  	p0 =	seq.s32 s12, $0x0;
	s18 =	simm.s32 $0x0;
	_ =	strace @p1 $0x8000004C  }
0x64: {  	s13 =	sshrl.u32 @p1 s13, $0x3;
	s18 =	smov.u32 @p5 s14;
	s17 =	rddreg [dreg:$0x4]  }
0x65: {  	s14 =	sadd.s32 @p1 $0x3, s15;
	s15 =	simm.s32 @p1 $0x0;
	s13 =	sadd.s32 @p1 s17, s13  }
0x66: {  	[hbm4b:s13+s15] =	stream.linear.scatter @p1 [tilespmem:s16], [sflag:s14], $0x7800, $0x200038;
	[tilespmem:$0xF200] =	vst v63  }
0x67: {  	s13 =	sand.u32 @!p0 $0x1, s18;
	p0 =	por p0, p0;
	_ =	strace @p1 $0x9000004C  }
0x68: {  	s13 =	sadd.s32 @!p0 $0x3, s13;
	_ =	strace @!p0 $0x8000004D  }
0x69: {  	p1 =	sne.s32 s12, $0x0;
	s12 =	simm.s32 $0x1;
	_ =	swait.ge @!p0 [sflag:s13], $0x7800  }
0x6a: {  	s12 =	simm.s32 @!p1 $0x0;
	[sflag:s13] =	ssyncset.done @!p0 $0x0  }
0x6b: {  	s11 =	sadd.s32 $0x1, s11;
	s12 =	sadd.s32 s12, s18;
	[sflag:s13] =	ssyncadd.s32 @!p0 $0xFFFF8800  }
0x6c: {  	s12 =	sand.u32 $0x1, s12;
	_ =	strace @!p0 $0x9000004D;
	p0 =	sne.s32 s11, s8  }
.Ltmp3:
0x6d: {  	s12 =	sadd.s32 $0x3, s12;
	_ =	strace $0x8000004E;
	(pc) =	sbr.rel @p0 .LBB2_1-.Ltmp3, $4  }
.Ltmp4:
0x6e: {  	_ =	swait.ge [sflag:s12], $0x7800;
	(pc) =	sbr.rel @!p0 .LBB2_8-.Ltmp4, $4  }
0x6f: {  	[sflag:s12] =	ssyncset.done $0x0  }
0x70: {  	[sflag:s12] =	ssyncadd.s32 $0xFFFF8800  }
0x71: {  	_ =	strace $0x9000004E  }
0x72: {  	_ = 	snop  }
.LBB2_2:
.Ltmp5:
0x73: {  	(pc) =	sbr.rel .LBB2_7-.Ltmp5, $3  }
0x74: {  	_ =	sdelay $0x1  }
0x75: {  	s12 =	simm.s32 $0x0;
	s15 =	simm.s32 $0x0  }
0x76: {  	s20 =	simm.s32 $0x0;
	s14 =	simm.s32 $0x0;
	s16 =	simm.s32 $0x1  }
.LBB2_4:
.Ltmp6:
0x77: {  	(pc) =	sbr.rel .LBB2_7-.Ltmp6, $4  }
0x78: {  	_ = 	snop  }
0x79: {  	s18 =	smov.u32 s13  }
0x7a: {  	s25 =	smov.u32 s21;
	s15 =	simm.s32 $0x0;
	s20 =	simm.s32 $0x0  }
0x7b: {  	s14 =	simm.s32 $0x0;
	s13 =	smov.u32 s17;
	p5 =	por $0x1, $0x1  }
.LBB2_8:
0x7c: {  	_ =	sfence.sel $0x180000  }
0x7d: {  	[bflag:$0x0] =	sbarrier.arrive $0xFFFF  }
0x7e: {  	p0 =	sne.s32 s1, $0x0;
	_ =	strace $0x90000047  }
0x7f: {  	s0 =	sadd.s32 @!p0 $0x100000, s0;
	[bflag:$0x2] =	sbarrier.arrive $0xFFFF  }
0x80: {  	[sflag:s0] =	ssyncadd.tile.s32 @!p0 $0x1;
	_ =	shalt  }
.Lfunc_end2:
_tile_overlayer_lowered:
.L_overlay_start_2:
0x81: {  	(tag) =	ssettag $0x2  }
0x82: {  	s0 =	rddreg [dreg:$0x0];
	s2 =	stileid.u32  }
0x83: {  	s1 =	rddreg [dreg:$0x1];
	p0 =	sne.s32 s2, $0x0  }
0x84: {  	s3 =	rddreg [dreg:$0x2];
	[bflag:$0x3] =	sbarrier.arrive $0xFFFF;
	s2 =	simm.s32 @!p0 $0x1C01  }
0x85: {  	[timem:s3], [sflag:s2] =	dma.local @!p0 [hbm:s0], s1  }
0x86: {  	s0 =	simm.s32 @!p0 $0x1  }
0x87: {  	_ =	swait.ge @!p0 [sflag:s0], s1  }
0x88: {  	s1 =	ssub.s32 @!p0 $0x0, s1;
	[sflag:s0] =	ssyncset.done @!p0 $0x0  }
0x89: {  	[sflag:s0] =	ssyncadd.s32 @!p0 s1  }
0x8a: {  	[bflag:$0x3] =	sbarrier.arrive $0xFFFF  }
0x8b: {  	_ =	shalt  }

</sc_bundles>
